<compile_context>
chip_gen: v7x
topology: tpu7x:2x2x1
jax: 0.10.2.dev20260603
libtpu: 0.0.44.dev20260713+nightly
codegen_flags: <defaults>
</compile_context>

<pallas_src>
import functools

import jax
import jax.numpy as jnp
from jax import lax
from jax.experimental import pallas as pl
from jax.experimental.pallas import tpu as pltpu
from jax.experimental.pallas import tpu_sc as plsc

D_TOKEN = 64
BATCH = 4096
HIST = 200
VOCAB = 100

NUM_CORES = 2
NUM_SUBCORES = 16
NW = NUM_CORES * NUM_SUBCORES
BCOL = BATCH // NW
N_PAIRS = HIST // 2
LANES = 16
NBG = BCOL // LANES
TROW = D_TOKEN + 1
UNROLL = 8


@functools.partial(
    pl.kernel,
    out_type=jax.ShapeDtypeStruct((HIST, D_TOKEN, BATCH), jnp.float32),
    mesh=plsc.VectorSubcoreMesh(core_axis_name="c", subcore_axis_name="s"),
    compiler_params=pltpu.CompilerParams(
        use_tc_tiling_on_sc=True, needs_layout_passes=False
    ),
    scratch_types=[
        pltpu.VMEM((VOCAB * TROW,), jnp.float32),
        pltpu.VMEM((8, BCOL), jnp.int32),
        pltpu.VMEM((2, D_TOKEN, BCOL), jnp.float32),
        pltpu.SemaphoreType.DMA((2,)),
    ],
)
def _sc_emb(table_hbm, xt_hbm, out_hbm, tab_v, idx_v, p_v, osem):
    wid = lax.axis_index("s") * NUM_CORES + lax.axis_index("c")
    col = wid * BCOL
    pltpu.sync_copy(table_hbm, tab_v)

    def compute_block(r, slot):
        for bg in range(NBG):
            iv = idx_v[r, pl.ds(bg * LANES, LANES)]
            base = iv * TROW

            @plsc.parallel_loop(0, D_TOKEN, unroll=UNROLL)
            def _(d):
                p_v[slot, d, pl.ds(bg * LANES, LANES)] = plsc.load_gather(
                    tab_v, [base + d]
                )

    def pair_body(gp, _):
        @pl.when(gp % 4 == 0)
        def _():
            pltpu.sync_copy(
                xt_hbm.at[pl.ds((gp // 4) * 8, 8), pl.ds(col, BCOL)], idx_v
            )

        for k in range(2):
            h = gp * 2 + k
            r = (gp % 4) * 2 + k

            @pl.when(gp > 0)
            def _():
                pltpu.make_async_copy(
                    p_v.at[k], out_hbm.at[h].at[:, pl.ds(col, BCOL)], osem.at[k]
                ).wait()

            compute_block(r, k)
            pltpu.async_copy(
                p_v.at[k], out_hbm.at[h].at[:, pl.ds(col, BCOL)], osem.at[k]
            )

        return ()

    lax.fori_loop(0, N_PAIRS, pair_body, ())

    for k in range(2):
        pltpu.make_async_copy(
            p_v.at[k], out_hbm.at[HIST - 2 + k].at[:, pl.ds(col, BCOL)], osem.at[k]
        ).wait()


def kernel(x, dic):
    table = jnp.concatenate([dic[-1:], dic[:-1]], axis=0)
    table = jnp.pad(table, ((0, 0), (0, TROW - D_TOKEN))).reshape(VOCAB * TROW)
    p = _sc_emb(table, x.T)
    return p.transpose(2, 0, 1)

# --- scband reference (transcript-rebuilt; emitter-appended) ---
"""Pipeline reference for scband-seq-embedding-49873160241249 (READ-ONLY COPY).

The authoritative reference and input builder live on the scoring server;
editing this copy changes nothing except your own understanding.
"""

import jax, jax.numpy as jnp
import numpy as np

D_TOKEN = 64
BATCH = 4096
HIST = 200
VOCAB = 100

def setup_inputs(seed: int = 0) -> dict:
    key = jax.random.key(seed)
    k1, k2 = jax.random.split(key)
    x = jax.random.randint(k1, (BATCH, HIST), 0, VOCAB, dtype=jnp.int32)
    dic = jax.random.normal(k2, (VOCAB, D_TOKEN), dtype=jnp.float32)
    return {"x": x, "dic": dic}

def reference(x, dic):
    # Faithful translation of: return self.dic[x - 1]
    # Negative index (when x == 0) wraps, matching torch semantics.
    return dic[x - 1]

if __name__ == "__main__":
    import jax
    _d = setup_inputs()
    print(jax.jit(kernel)(*tuple(_d.values())))

</pallas_src>

<mosaic_0001>
#map = affine_map<(d0, d1) -> (0)>
#map1 = affine_map<(d0, d1) -> (0, 0)>
#map2 = affine_map<(d0, d1) -> (0, 0, 0)>
module attributes {stable_mosaic.version = 14 : i64} {
  func.func @_sc_emb(%arg0: i32, %arg1: i32, %arg2: memref<6500xf32, #tpu.memory_space<hbm>>, %arg3: memref<200x4096xi32, #tpu.memory_space<hbm>>, %arg4: memref<200x64x4096xf32, #tpu.memory_space<hbm>>, %arg5: memref<6500xf32, #tpu.memory_space<vmem>>, %arg6: memref<8x128xi32, #tpu.memory_space<vmem>>, %arg7: memref<2x64x128xf32, #tpu.memory_space<vmem>>, %arg8: memref<2x!tpu.dma_semaphore, #tpu.memory_space<semaphore_mem>>) attributes {dimension_semantics = [#tpu.dimension_semantics<core_parallel>, #tpu.dimension_semantics<subcore_parallel>], iteration_bounds = array<i64: 2, 16>, scalar_prefetch = 0 : i64, scratch_operands = 4 : i64, tpu.core_type = #tpu.core_type<sc_vector_subcore>, window_params = [{transform_indices = #map}, {transform_indices = #map1}, {transform_indices = #map2}]} {
    %mul3A = arith.constant 2 : i32
    %mul3A_0 = arith.muli %arg1, %mul3A : i32
    %add3A = arith.addi %mul3A_0, %arg0 : i32
    %mul3A_1 = arith.constant 128 : i32
    %mul3A_2 = arith.muli %add3A, %mul3A_1 : i32
    "tpu.region"() ({
      %run_scoped3A = tpu.sem_alloc : memref<!tpu.dma_semaphore, #tpu.memory_space<semaphore_mem>>
      tpu.enqueue_dma source(%arg2 : memref<6500xf32, #tpu.memory_space<hbm>>) target(%arg5 : memref<6500xf32, #tpu.memory_space<vmem>>) target_semaphore(%run_scoped3A : memref<!tpu.dma_semaphore, #tpu.memory_space<semaphore_mem>>)
      tpu.wait_dma2 semaphore(%run_scoped3A : memref<!tpu.dma_semaphore, #tpu.memory_space<semaphore_mem>>) src(%arg2 : memref<6500xf32, #tpu.memory_space<hbm>>) dst(%arg5 : memref<6500xf32, #tpu.memory_space<vmem>>)
      tpu.yield
    }) : () -> ()
    %scan3A = arith.constant 0 : i32
    %scan3A_3 = arith.constant 100 : i32
    %scan3A_4 = arith.addi %scan3A, %scan3A_3 : i32
    %scan3A_5 = arith.constant 1 : i32
    scf.for %scan3A_56 = %scan3A to %scan3A_4 step %scan3A_5  : i32 {
      %jit3A = arith.constant 4 : i32
      %eq3A = arith.constant 0 : i32
      %eq3A_57 = arith.cmpi eq, %jit3A, %eq3A : i32
      %jit3A_58 = arith.constant 1 : i32
      %select_n3A = arith.select %eq3A_57, %jit3A_58, %jit3A : i32
      %rem3A = arith.remsi %scan3A_56, %select_n3A : i32
      %ne3A = arith.constant 0 : i32
      %ne3A_59 = arith.cmpi ne, %rem3A, %ne3A : i32
      %lt3A = arith.constant 0 : i32
      %lt3A_60 = arith.cmpi slt, %rem3A, %lt3A : i32
      %lt3A_61 = arith.constant 0 : i32
      %lt3A_62 = arith.cmpi slt, %select_n3A, %lt3A_61 : i32
      %ne3A_63 = arith.xori %lt3A_60, %lt3A_62 : i1
      %and3A = arith.andi %ne3A_63, %ne3A_59 : i1
      %add3A_64 = arith.addi %rem3A, %select_n3A : i32
      %select_n3A_65 = arith.select %and3A, %add3A_64, %rem3A : i32
      %eq3A_66 = arith.constant 0 : i32
      %eq3A_67 = arith.cmpi eq, %select_n3A_65, %eq3A_66 : i32
      %convert_element_type3A = arith.extui %eq3A_67 : i1 to i32
      %cond3A = arith.constant 0 : i32
      %cond3A_68 = arith.cmpi ne, %convert_element_type3A, %cond3A : i32
      scf.if %cond3A_68 {
        %jit3A_315 = arith.constant 4 : i32
        %div3A = arith.divsi %scan3A_56, %jit3A_315 : i32
        %sign3A = arith.constant 0 : i32
        %sign3A_316 = arith.cmpi sgt, %scan3A_56, %sign3A : i32
        %sign3A_317 = arith.extui %sign3A_316 : i1 to i32
        %sign3A_318 = arith.constant 0 : i32
        %sign3A_319 = arith.cmpi slt, %scan3A_56, %sign3A_318 : i32
        %sign3A_320 = arith.extui %sign3A_319 : i1 to i32
        %sign3A_321 = arith.subi %sign3A_317, %sign3A_320 : i32
        %sign3A_322 = arith.constant 0 : i32
        %sign3A_323 = arith.cmpi sgt, %jit3A_315, %sign3A_322 : i32
        %sign3A_324 = arith.extui %sign3A_323 : i1 to i32
        %sign3A_325 = arith.constant 0 : i32
        %sign3A_326 = arith.cmpi slt, %jit3A_315, %sign3A_325 : i32
        %sign3A_327 = arith.extui %sign3A_326 : i1 to i32
        %sign3A_328 = arith.subi %sign3A_324, %sign3A_327 : i32
        %ne3A_329 = arith.cmpi ne, %sign3A_321, %sign3A_328 : i32
        %rem3A_330 = arith.remsi %scan3A_56, %jit3A_315 : i32
        %ne3A_331 = arith.constant 0 : i32
        %ne3A_332 = arith.cmpi ne, %rem3A_330, %ne3A_331 : i32
        %and3A_333 = arith.andi %ne3A_329, %ne3A_332 : i1
        %sub3A = arith.constant 1 : i32
        %sub3A_334 = arith.subi %div3A, %sub3A : i32
        %select_n3A_335 = arith.select %and3A_333, %sub3A_334, %div3A : i32
        %mul3A_336 = arith.constant 8 : i32
        %mul3A_337 = arith.muli %select_n3A_335, %mul3A_336 : i32
        "tpu.region"() ({
          %run_scoped3A = tpu.sem_alloc : memref<!tpu.dma_semaphore, #tpu.memory_space<semaphore_mem>>
          %dma_start3A_338 = tpu.memref_slice %arg3[%mul3A_337, %mul3A_2] : memref<200x4096xi32, #tpu.memory_space<hbm>> -> memref<8x128xi32, #tpu.memory_space<hbm>>
          %dma_start3A_339 = tpu.memref_slice %arg3[%mul3A_337, %mul3A_2] : memref<200x4096xi32, #tpu.memory_space<hbm>> -> memref<8x128xi32, #tpu.memory_space<hbm>>
          tpu.enqueue_dma source(%dma_start3A_339 : memref<8x128xi32, #tpu.memory_space<hbm>>) target(%arg6 : memref<8x128xi32, #tpu.memory_space<vmem>>) target_semaphore(%run_scoped3A : memref<!tpu.dma_semaphore, #tpu.memory_space<semaphore_mem>>)
          %dma_wait3A_340 = tpu.memref_slice %arg3[%mul3A_337, %mul3A_2] : memref<200x4096xi32, #tpu.memory_space<hbm>> -> memref<8x128xi32, #tpu.memory_space<hbm>>
          %dma_wait3A_341 = tpu.memref_slice %arg3[%mul3A_337, %mul3A_2] : memref<200x4096xi32, #tpu.memory_space<hbm>> -> memref<8x128xi32, #tpu.memory_space<hbm>>
          tpu.wait_dma2 semaphore(%run_scoped3A : memref<!tpu.dma_semaphore, #tpu.memory_space<semaphore_mem>>) src(%dma_wait3A_341 : memref<8x128xi32, #tpu.memory_space<hbm>>) dst(%arg6 : memref<8x128xi32, #tpu.memory_space<vmem>>)
          tpu.yield
        }) : () -> ()
      } else {
      }
      %mul3A_69 = arith.constant 2 : i32
      %mul3A_70 = arith.muli %scan3A_56, %mul3A_69 : i32
      %add3A_71 = arith.constant 0 : i32
      %add3A_72 = arith.addi %mul3A_70, %add3A_71 : i32
      %jit3A_73 = arith.constant 4 : i32
      %eq3A_74 = arith.constant 0 : i32
      %eq3A_75 = arith.cmpi eq, %jit3A_73, %eq3A_74 : i32
      %jit3A_76 = arith.constant 1 : i32
      %select_n3A_77 = arith.select %eq3A_75, %jit3A_76, %jit3A_73 : i32
      %rem3A_78 = arith.remsi %scan3A_56, %select_n3A_77 : i32
      %ne3A_79 = arith.constant 0 : i32
      %ne3A_80 = arith.cmpi ne, %rem3A_78, %ne3A_79 : i32
      %lt3A_81 = arith.constant 0 : i32
      %lt3A_82 = arith.cmpi slt, %rem3A_78, %lt3A_81 : i32
      %lt3A_83 = arith.constant 0 : i32
      %lt3A_84 = arith.cmpi slt, %select_n3A_77, %lt3A_83 : i32
      %ne3A_85 = arith.xori %lt3A_82, %lt3A_84 : i1
      %and3A_86 = arith.andi %ne3A_85, %ne3A_80 : i1
      %add3A_87 = arith.addi %rem3A_78, %select_n3A_77 : i32
      %select_n3A_88 = arith.select %and3A_86, %add3A_87, %rem3A_78 : i32
      %mul3A_89 = arith.constant 2 : i32
      %mul3A_90 = arith.muli %select_n3A_88, %mul3A_89 : i32
      %add3A_91 = arith.constant 0 : i32
      %add3A_92 = arith.addi %mul3A_90, %add3A_91 : i32
      %gt3A = arith.constant 0 : i32
      %gt3A_93 = arith.cmpi sgt, %scan3A_56, %gt3A : i32
      %convert_element_type3A_94 = arith.extui %gt3A_93 : i1 to i32
      %cond3A_95 = arith.constant 0 : i32
      %cond3A_96 = arith.cmpi ne, %convert_element_type3A_94, %cond3A_95 : i32
      scf.if %cond3A_96 {
        %dma_wait3A_315 = arith.constant 0 : i32
        %dma_wait3A_316 = arith.constant 0 : i32
        %dma_wait3A_317 = arith.constant 0 : i32
        %dma_wait3A_318 = arith.constant 0 : i32
        %dma_wait3A_319 = tpu.memref_slice %arg7[%dma_wait3A_315, %dma_wait3A_317, %dma_wait3A_318] : memref<2x64x128xf32, #tpu.memory_space<vmem>> -> memref<1x64x128xf32, #tpu.memory_space<vmem>>
        %dma_wait3A_320 = tpu.memref_squeeze %dma_wait3A_319 : memref<1x64x128xf32, #tpu.memory_space<vmem>> -> memref<64x128xf32, #tpu.memory_space<vmem>>
        %dma_wait3A_321 = arith.constant 0 : i32
        %dma_wait3A_322 = arith.constant 0 : i32
        %dma_wait3A_323 = tpu.memref_slice %arg4[%add3A_72, %dma_wait3A_321, %dma_wait3A_322] : memref<200x64x4096xf32, #tpu.memory_space<hbm>> -> memref<1x64x4096xf32, #tpu.memory_space<hbm>>
        %dma_wait3A_324 = tpu.memref_squeeze %dma_wait3A_323 : memref<1x64x4096xf32, #tpu.memory_space<hbm>> -> memref<64x4096xf32, #tpu.memory_space<hbm>>
        %dma_wait3A_325 = arith.constant 0 : i32
        %dma_wait3A_326 = tpu.memref_slice %dma_wait3A_324[%dma_wait3A_325, %mul3A_2] : memref<64x4096xf32, #tpu.memory_space<hbm>> -> memref<64x128xf32, #tpu.memory_space<hbm>>
        %dma_wait3A_327 = tpu.memref_slice %arg8[%dma_wait3A_316] : memref<2x!tpu.dma_semaphore, #tpu.memory_space<semaphore_mem>> -> memref<1x!tpu.dma_semaphore, #tpu.memory_space<semaphore_mem>>
        %dma_wait3A_328 = tpu.memref_squeeze %dma_wait3A_327 : memref<1x!tpu.dma_semaphore, #tpu.memory_space<semaphore_mem>> -> memref<!tpu.dma_semaphore, #tpu.memory_space<semaphore_mem>>
        %dma_wait3A_329 = arith.constant 0 : i32
        %dma_wait3A_330 = arith.constant 0 : i32
        %dma_wait3A_331 = tpu.memref_slice %arg4[%add3A_72, %dma_wait3A_329, %dma_wait3A_330] : memref<200x64x4096xf32, #tpu.memory_space<hbm>> -> memref<1x64x4096xf32, #tpu.memory_space<hbm>>
        %dma_wait3A_332 = tpu.memref_squeeze %dma_wait3A_331 : memref<1x64x4096xf32, #tpu.memory_space<hbm>> -> memref<64x4096xf32, #tpu.memory_space<hbm>>
        %dma_wait3A_333 = arith.constant 0 : i32
        %dma_wait3A_334 = tpu.memref_slice %dma_wait3A_332[%dma_wait3A_333, %mul3A_2] : memref<64x4096xf32, #tpu.memory_space<hbm>> -> memref<64x128xf32, #tpu.memory_space<hbm>>
        %dma_wait3A_335 = arith.constant 0 : i32
        %dma_wait3A_336 = arith.constant 0 : i32
        %dma_wait3A_337 = tpu.memref_slice %arg7[%dma_wait3A_315, %dma_wait3A_335, %dma_wait3A_336] : memref<2x64x128xf32, #tpu.memory_space<vmem>> -> memref<1x64x128xf32, #tpu.memory_space<vmem>>
        %dma_wait3A_338 = tpu.memref_squeeze %dma_wait3A_337 : memref<1x64x128xf32, #tpu.memory_space<vmem>> -> memref<64x128xf32, #tpu.memory_space<vmem>>
        tpu.wait_dma2 semaphore(%dma_wait3A_328 : memref<!tpu.dma_semaphore, #tpu.memory_space<semaphore_mem>>) src(%dma_wait3A_338 : memref<64x128xf32, #tpu.memory_space<vmem>>) dst(%dma_wait3A_334 : memref<64x128xf32, #tpu.memory_space<hbm>>)
      } else {
      }
      %get3A = arith.index_cast %add3A_92 : i32 to index
      %get3A_97 = arith.constant 0 : index
      %get3A_98 = tpu.vector_load %arg6[%get3A, %get3A_97] {strides = array<i32>} : memref<8x128xi32, #tpu.memory_space<vmem>>, vector<16xi32>,
      %mul3A_99 = arith.constant 65 : i32
      %mul3A_100 = vector.broadcast %mul3A_99 : i32 to vector<16xi32>
      %mul3A_101 = arith.muli %get3A_98, %mul3A_100 : vector<16xi32>
      %parallel_loop3A = arith.constant 0 : i32
      %parallel_loop3A_102 = arith.constant 64 : i32
      %parallel_loop3A_103 = arith.constant 1 : i32
      scf.for %parallel_loop3A_315 = %parallel_loop3A to %parallel_loop3A_102 step %parallel_loop3A_103  : i32 {
        %parallel_loop3A_316 = vector.broadcast %parallel_loop3A_315 : i32 to vector<16xi32>
        %parallel_loop3A_317 = arith.addi %mul3A_101, %parallel_loop3A_316 : vector<16xi32>
        %parallel_loop3A_318 = tpu.vector_load_idx %arg5[%parallel_loop3A_317] : memref<6500xf32, #tpu.memory_space<vmem>>[vector<16xi32>], vector<16xf32>,
        %parallel_loop3A_319 = arith.constant 0 : i32
        %parallel_loop3A_320 = arith.index_cast %parallel_loop3A_319 : i32 to index
        %parallel_loop3A_321 = arith.index_cast %parallel_loop3A_315 : i32 to index
        %parallel_loop3A_322 = arith.constant 0 : index
        %parallel_loop3A_323 = tpu.vector_load %arg7[%parallel_loop3A_320, %parallel_loop3A_321, %parallel_loop3A_322] {strides = array<i32>} : memref<2x64x128xf32, #tpu.memory_space<vmem>>, vector<16xf32>,
        tpu.vector_store %arg7[%parallel_loop3A_320, %parallel_loop3A_321, %parallel_loop3A_322], %parallel_loop3A_318 {strides = array<i32>} : memref<2x64x128xf32, #tpu.memory_space<vmem>>, vector<16xf32>,
      } {sc.loop_unroll_factor = 8 : i64, sc.parallel_access}
      %get3A_104 = arith.index_cast %add3A_92 : i32 to index
      %get3A_105 = arith.constant 16 : index
      %get3A_106 = tpu.vector_load %arg6[%get3A_104, %get3A_105] {strides = array<i32>} : memref<8x128xi32, #tpu.memory_space<vmem>>, vector<16xi32>,
      %mul3A_107 = arith.constant 65 : i32
      %mul3A_108 = vector.broadcast %mul3A_107 : i32 to vector<16xi32>
      %mul3A_109 = arith.muli %get3A_106, %mul3A_108 : vector<16xi32>
      %parallel_loop3A_110 = arith.constant 0 : i32
      %parallel_loop3A_111 = arith.constant 64 : i32
      %parallel_loop3A_112 = arith.constant 1 : i32
      scf.for %parallel_loop3A_315 = %parallel_loop3A_110 to %parallel_loop3A_111 step %parallel_loop3A_112  : i32 {
        %parallel_loop3A_316 = vector.broadcast %parallel_loop3A_315 : i32 to vector<16xi32>
        %parallel_loop3A_317 = arith.addi %mul3A_109, %parallel_loop3A_316 : vector<16xi32>
        %parallel_loop3A_318 = tpu.vector_load_idx %arg5[%parallel_loop3A_317] : memref<6500xf32, #tpu.memory_space<vmem>>[vector<16xi32>], vector<16xf32>,
        %parallel_loop3A_319 = arith.constant 0 : i32
        %parallel_loop3A_320 = arith.index_cast %parallel_loop3A_319 : i32 to index
        %parallel_loop3A_321 = arith.index_cast %parallel_loop3A_315 : i32 to index
        %parallel_loop3A_322 = arith.constant 16 : index
        %parallel_loop3A_323 = tpu.vector_load %arg7[%parallel_loop3A_320, %parallel_loop3A_321, %parallel_loop3A_322] {strides = array<i32>} : memref<2x64x128xf32, #tpu.memory_space<vmem>>, vector<16xf32>,
        tpu.vector_store %arg7[%parallel_loop3A_320, %parallel_loop3A_321, %parallel_loop3A_322], %parallel_loop3A_318 {strides = array<i32>} : memref<2x64x128xf32, #tpu.memory_space<vmem>>, vector<16xf32>,
      } {sc.loop_unroll_factor = 8 : i64, sc.parallel_access}
      %get3A_113 = arith.index_cast %add3A_92 : i32 to index
      %get3A_114 = arith.constant 32 : index
      %get3A_115 = tpu.vector_load %arg6[%get3A_113, %get3A_114] {strides = array<i32>} : memref<8x128xi32, #tpu.memory_space<vmem>>, vector<16xi32>,
      %mul3A_116 = arith.constant 65 : i32
      %mul3A_117 = vector.broadcast %mul3A_116 : i32 to vector<16xi32>
      %mul3A_118 = arith.muli %get3A_115, %mul3A_117 : vector<16xi32>
      %parallel_loop3A_119 = arith.constant 0 : i32
      %parallel_loop3A_120 = arith.constant 64 : i32
      %parallel_loop3A_121 = arith.constant 1 : i32
      scf.for %parallel_loop3A_315 = %parallel_loop3A_119 to %parallel_loop3A_120 step %parallel_loop3A_121  : i32 {
        %parallel_loop3A_316 = vector.broadcast %parallel_loop3A_315 : i32 to vector<16xi32>
        %parallel_loop3A_317 = arith.addi %mul3A_118, %parallel_loop3A_316 : vector<16xi32>
        %parallel_loop3A_318 = tpu.vector_load_idx %arg5[%parallel_loop3A_317] : memref<6500xf32, #tpu.memory_space<vmem>>[vector<16xi32>], vector<16xf32>,
        %parallel_loop3A_319 = arith.constant 0 : i32
        %parallel_loop3A_320 = arith.index_cast %parallel_loop3A_319 : i32 to index
        %parallel_loop3A_321 = arith.index_cast %parallel_loop3A_315 : i32 to index
        %parallel_loop3A_322 = arith.constant 32 : index
        %parallel_loop3A_323 = tpu.vector_load %arg7[%parallel_loop3A_320, %parallel_loop3A_321, %parallel_loop3A_322] {strides = array<i32>} : memref<2x64x128xf32, #tpu.memory_space<vmem>>, vector<16xf32>,
        tpu.vector_store %arg7[%parallel_loop3A_320, %parallel_loop3A_321, %parallel_loop3A_322], %parallel_loop3A_318 {strides = array<i32>} : memref<2x64x128xf32, #tpu.memory_space<vmem>>, vector<16xf32>,
      } {sc.loop_unroll_factor = 8 : i64, sc.parallel_access}
      %get3A_122 = arith.index_cast %add3A_92 : i32 to index
      %get3A_123 = arith.constant 48 : index
      %get3A_124 = tpu.vector_load %arg6[%get3A_122, %get3A_123] {strides = array<i32>} : memref<8x128xi32, #tpu.memory_space<vmem>>, vector<16xi32>,
      %mul3A_125 = arith.constant 65 : i32
      %mul3A_126 = vector.broadcast %mul3A_125 : i32 to vector<16xi32>
      %mul3A_127 = arith.muli %get3A_124, %mul3A_126 : vector<16xi32>
      %parallel_loop3A_128 = arith.constant 0 : i32
      %parallel_loop3A_129 = arith.constant 64 : i32
      %parallel_loop3A_130 = arith.constant 1 : i32
      scf.for %parallel_loop3A_315 = %parallel_loop3A_128 to %parallel_loop3A_129 step %parallel_loop3A_130  : i32 {
        %parallel_loop3A_316 = vector.broadcast %parallel_loop3A_315 : i32 to vector<16xi32>
        %parallel_loop3A_317 = arith.addi %mul3A_127, %parallel_loop3A_316 : vector<16xi32>
        %parallel_loop3A_318 = tpu.vector_load_idx %arg5[%parallel_loop3A_317] : memref<6500xf32, #tpu.memory_space<vmem>>[vector<16xi32>], vector<16xf32>,
        %parallel_loop3A_319 = arith.constant 0 : i32
        %parallel_loop3A_320 = arith.index_cast %parallel_loop3A_319 : i32 to index
        %parallel_loop3A_321 = arith.index_cast %parallel_loop3A_315 : i32 to index
        %parallel_loop3A_322 = arith.constant 48 : index
        %parallel_loop3A_323 = tpu.vector_load %arg7[%parallel_loop3A_320, %parallel_loop3A_321, %parallel_loop3A_322] {strides = array<i32>} : memref<2x64x128xf32, #tpu.memory_space<vmem>>, vector<16xf32>,
        tpu.vector_store %arg7[%parallel_loop3A_320, %parallel_loop3A_321, %parallel_loop3A_322], %parallel_loop3A_318 {strides = array<i32>} : memref<2x64x128xf32, #tpu.memory_space<vmem>>, vector<16xf32>,
      } {sc.loop_unroll_factor = 8 : i64, sc.parallel_access}
      %get3A_131 = arith.index_cast %add3A_92 : i32 to index
      %get3A_132 = arith.constant 64 : index
      %get3A_133 = tpu.vector_load %arg6[%get3A_131, %get3A_132] {strides = array<i32>} : memref<8x128xi32, #tpu.memory_space<vmem>>, vector<16xi32>,
      %mul3A_134 = arith.constant 65 : i32
      %mul3A_135 = vector.broadcast %mul3A_134 : i32 to vector<16xi32>
      %mul3A_136 = arith.muli %get3A_133, %mul3A_135 : vector<16xi32>
      %parallel_loop3A_137 = arith.constant 0 : i32
      %parallel_loop3A_138 = arith.constant 64 : i32
      %parallel_loop3A_139 = arith.constant 1 : i32
      scf.for %parallel_loop3A_315 = %parallel_loop3A_137 to %parallel_loop3A_138 step %parallel_loop3A_139  : i32 {
        %parallel_loop3A_316 = vector.broadcast %parallel_loop3A_315 : i32 to vector<16xi32>
        %parallel_loop3A_317 = arith.addi %mul3A_136, %parallel_loop3A_316 : vector<16xi32>
        %parallel_loop3A_318 = tpu.vector_load_idx %arg5[%parallel_loop3A_317] : memref<6500xf32, #tpu.memory_space<vmem>>[vector<16xi32>], vector<16xf32>,
        %parallel_loop3A_319 = arith.constant 0 : i32
        %parallel_loop3A_320 = arith.index_cast %parallel_loop3A_319 : i32 to index
        %parallel_loop3A_321 = arith.index_cast %parallel_loop3A_315 : i32 to index
        %parallel_loop3A_322 = arith.constant 64 : index
        %parallel_loop3A_323 = tpu.vector_load %arg7[%parallel_loop3A_320, %parallel_loop3A_321, %parallel_loop3A_322] {strides = array<i32>} : memref<2x64x128xf32, #tpu.memory_space<vmem>>, vector<16xf32>,
        tpu.vector_store %arg7[%parallel_loop3A_320, %parallel_loop3A_321, %parallel_loop3A_322], %parallel_loop3A_318 {strides = array<i32>} : memref<2x64x128xf32, #tpu.memory_space<vmem>>, vector<16xf32>,
      } {sc.loop_unroll_factor = 8 : i64, sc.parallel_access}
      %get3A_140 = arith.index_cast %add3A_92 : i32 to index
      %get3A_141 = arith.constant 80 : index
      %get3A_142 = tpu.vector_load %arg6[%get3A_140, %get3A_141] {strides = array<i32>} : memref<8x128xi32, #tpu.memory_space<vmem>>, vector<16xi32>,
      %mul3A_143 = arith.constant 65 : i32
      %mul3A_144 = vector.broadcast %mul3A_143 : i32 to vector<16xi32>
      %mul3A_145 = arith.muli %get3A_142, %mul3A_144 : vector<16xi32>
      %parallel_loop3A_146 = arith.constant 0 : i32
      %parallel_loop3A_147 = arith.constant 64 : i32
      %parallel_loop3A_148 = arith.constant 1 : i32
      scf.for %parallel_loop3A_315 = %parallel_loop3A_146 to %parallel_loop3A_147 step %parallel_loop3A_148  : i32 {
        %parallel_loop3A_316 = vector.broadcast %parallel_loop3A_315 : i32 to vector<16xi32>
        %parallel_loop3A_317 = arith.addi %mul3A_145, %parallel_loop3A_316 : vector<16xi32>
        %parallel_loop3A_318 = tpu.vector_load_idx %arg5[%parallel_loop3A_317] : memref<6500xf32, #tpu.memory_space<vmem>>[vector<16xi32>], vector<16xf32>,
        %parallel_loop3A_319 = arith.constant 0 : i32
        %parallel_loop3A_320 = arith.index_cast %parallel_loop3A_319 : i32 to index
        %parallel_loop3A_321 = arith.index_cast %parallel_loop3A_315 : i32 to index
        %parallel_loop3A_322 = arith.constant 80 : index
        %parallel_loop3A_323 = tpu.vector_load %arg7[%parallel_loop3A_320, %parallel_loop3A_321, %parallel_loop3A_322] {strides = array<i32>} : memref<2x64x128xf32, #tpu.memory_space<vmem>>, vector<16xf32>,
        tpu.vector_store %arg7[%parallel_loop3A_320, %parallel_loop3A_321, %parallel_loop3A_322], %parallel_loop3A_318 {strides = array<i32>} : memref<2x64x128xf32, #tpu.memory_space<vmem>>, vector<16xf32>,
      } {sc.loop_unroll_factor = 8 : i64, sc.parallel_access}
      %get3A_149 = arith.index_cast %add3A_92 : i32 to index
      %get3A_150 = arith.constant 96 : index
      %get3A_151 = tpu.vector_load %arg6[%get3A_149, %get3A_150] {strides = array<i32>} : memref<8x128xi32, #tpu.memory_space<vmem>>, vector<16xi32>,
      %mul3A_152 = arith.constant 65 : i32
      %mul3A_153 = vector.broadcast %mul3A_152 : i32 to vector<16xi32>
      %mul3A_154 = arith.muli %get3A_151, %mul3A_153 : vector<16xi32>
      %parallel_loop3A_155 = arith.constant 0 : i32
      %parallel_loop3A_156 = arith.constant 64 : i32
      %parallel_loop3A_157 = arith.constant 1 : i32
      scf.for %parallel_loop3A_315 = %parallel_loop3A_155 to %parallel_loop3A_156 step %parallel_loop3A_157  : i32 {
        %parallel_loop3A_316 = vector.broadcast %parallel_loop3A_315 : i32 to vector<16xi32>
        %parallel_loop3A_317 = arith.addi %mul3A_154, %parallel_loop3A_316 : vector<16xi32>
        %parallel_loop3A_318 = tpu.vector_load_idx %arg5[%parallel_loop3A_317] : memref<6500xf32, #tpu.memory_space<vmem>>[vector<16xi32>], vector<16xf32>,
        %parallel_loop3A_319 = arith.constant 0 : i32
        %parallel_loop3A_320 = arith.index_cast %parallel_loop3A_319 : i32 to index
        %parallel_loop3A_321 = arith.index_cast %parallel_loop3A_315 : i32 to index
        %parallel_loop3A_322 = arith.constant 96 : index
        %parallel_loop3A_323 = tpu.vector_load %arg7[%parallel_loop3A_320, %parallel_loop3A_321, %parallel_loop3A_322] {strides = array<i32>} : memref<2x64x128xf32, #tpu.memory_space<vmem>>, vector<16xf32>,
        tpu.vector_store %arg7[%parallel_loop3A_320, %parallel_loop3A_321, %parallel_loop3A_322], %parallel_loop3A_318 {strides = array<i32>} : memref<2x64x128xf32, #tpu.memory_space<vmem>>, vector<16xf32>,
      } {sc.loop_unroll_factor = 8 : i64, sc.parallel_access}
      %get3A_158 = arith.index_cast %add3A_92 : i32 to index
      %get3A_159 = arith.constant 112 : index
      %get3A_160 = tpu.vector_load %arg6[%get3A_158, %get3A_159] {strides = array<i32>} : memref<8x128xi32, #tpu.memory_space<vmem>>, vector<16xi32>,
      %mul3A_161 = arith.constant 65 : i32
      %mul3A_162 = vector.broadcast %mul3A_161 : i32 to vector<16xi32>
      %mul3A_163 = arith.muli %get3A_160, %mul3A_162 : vector<16xi32>
      %parallel_loop3A_164 = arith.constant 0 : i32
      %parallel_loop3A_165 = arith.constant 64 : i32
      %parallel_loop3A_166 = arith.constant 1 : i32
      scf.for %parallel_loop3A_315 = %parallel_loop3A_164 to %parallel_loop3A_165 step %parallel_loop3A_166  : i32 {
        %parallel_loop3A_316 = vector.broadcast %parallel_loop3A_315 : i32 to vector<16xi32>
        %parallel_loop3A_317 = arith.addi %mul3A_163, %parallel_loop3A_316 : vector<16xi32>
        %parallel_loop3A_318 = tpu.vector_load_idx %arg5[%parallel_loop3A_317] : memref<6500xf32, #tpu.memory_space<vmem>>[vector<16xi32>], vector<16xf32>,
        %parallel_loop3A_319 = arith.constant 0 : i32
        %parallel_loop3A_320 = arith.index_cast %parallel_loop3A_319 : i32 to index
        %parallel_loop3A_321 = arith.index_cast %parallel_loop3A_315 : i32 to index
        %parallel_loop3A_322 = arith.constant 112 : index
        %parallel_loop3A_323 = tpu.vector_load %arg7[%parallel_loop3A_320, %parallel_loop3A_321, %parallel_loop3A_322] {strides = array<i32>} : memref<2x64x128xf32, #tpu.memory_space<vmem>>, vector<16xf32>,
        tpu.vector_store %arg7[%parallel_loop3A_320, %parallel_loop3A_321, %parallel_loop3A_322], %parallel_loop3A_318 {strides = array<i32>} : memref<2x64x128xf32, #tpu.memory_space<vmem>>, vector<16xf32>,
      } {sc.loop_unroll_factor = 8 : i64, sc.parallel_access}
      %dma_start3A = arith.constant 0 : i32
      %dma_start3A_167 = arith.constant 0 : i32
      %dma_start3A_168 = arith.constant 0 : i32
      %dma_start3A_169 = arith.constant 0 : i32
      %dma_start3A_170 = tpu.memref_slice %arg7[%dma_start3A, %dma_start3A_168, %dma_start3A_169] : memref<2x64x128xf32, #tpu.memory_space<vmem>> -> memref<1x64x128xf32, #tpu.memory_space<vmem>>
      %dma_start3A_171 = tpu.memref_squeeze %dma_start3A_170 : memref<1x64x128xf32, #tpu.memory_space<vmem>> -> memref<64x128xf32, #tpu.memory_space<vmem>>
      %dma_start3A_172 = arith.constant 0 : i32
      %dma_start3A_173 = arith.constant 0 : i32
      %dma_start3A_174 = tpu.memref_slice %arg4[%add3A_72, %dma_start3A_172, %dma_start3A_173] : memref<200x64x4096xf32, #tpu.memory_space<hbm>> -> memref<1x64x4096xf32, #tpu.memory_space<hbm>>
      %dma_start3A_175 = tpu.memref_squeeze %dma_start3A_174 : memref<1x64x4096xf32, #tpu.memory_space<hbm>> -> memref<64x4096xf32, #tpu.memory_space<hbm>>
      %dma_start3A_176 = arith.constant 0 : i32
      %dma_start3A_177 = tpu.memref_slice %dma_start3A_175[%dma_start3A_176, %mul3A_2] : memref<64x4096xf32, #tpu.memory_space<hbm>> -> memref<64x128xf32, #tpu.memory_space<hbm>>
      %dma_start3A_178 = tpu.memref_slice %arg8[%dma_start3A_167] : memref<2x!tpu.dma_semaphore, #tpu.memory_space<semaphore_mem>> -> memref<1x!tpu.dma_semaphore, #tpu.memory_space<semaphore_mem>>
      %dma_start3A_179 = tpu.memref_squeeze %dma_start3A_178 : memref<1x!tpu.dma_semaphore, #tpu.memory_space<semaphore_mem>> -> memref<!tpu.dma_semaphore, #tpu.memory_space<semaphore_mem>>
      %dma_start3A_180 = arith.constant 0 : i32
      %dma_start3A_181 = arith.constant 0 : i32
      %dma_start3A_182 = tpu.memref_slice %arg4[%add3A_72, %dma_start3A_180, %dma_start3A_181] : memref<200x64x4096xf32, #tpu.memory_space<hbm>> -> memref<1x64x4096xf32, #tpu.memory_space<hbm>>
      %dma_start3A_183 = tpu.memref_squeeze %dma_start3A_182 : memref<1x64x4096xf32, #tpu.memory_space<hbm>> -> memref<64x4096xf32, #tpu.memory_space<hbm>>
      %dma_start3A_184 = arith.constant 0 : i32
      %dma_start3A_185 = tpu.memref_slice %dma_start3A_183[%dma_start3A_184, %mul3A_2] : memref<64x4096xf32, #tpu.memory_space<hbm>> -> memref<64x128xf32, #tpu.memory_space<hbm>>
      %dma_start3A_186 = arith.constant 0 : i32
      %dma_start3A_187 = arith.constant 0 : i32
      %dma_start3A_188 = tpu.memref_slice %arg7[%dma_start3A, %dma_start3A_186, %dma_start3A_187] : memref<2x64x128xf32, #tpu.memory_space<vmem>> -> memref<1x64x128xf32, #tpu.memory_space<vmem>>
      %dma_start3A_189 = tpu.memref_squeeze %dma_start3A_188 : memref<1x64x128xf32, #tpu.memory_space<vmem>> -> memref<64x128xf32, #tpu.memory_space<vmem>>
      tpu.enqueue_dma source(%dma_start3A_189 : memref<64x128xf32, #tpu.memory_space<vmem>>) target(%dma_start3A_185 : memref<64x128xf32, #tpu.memory_space<hbm>>) target_semaphore(%dma_start3A_179 : memref<!tpu.dma_semaphore, #tpu.memory_space<semaphore_mem>>)
      %mul3A_190 = arith.constant 2 : i32
      %mul3A_191 = arith.muli %scan3A_56, %mul3A_190 : i32
      %add3A_192 = arith.constant 1 : i32
      %add3A_193 = arith.addi %mul3A_191, %add3A_192 : i32
      %jit3A_194 = arith.constant 4 : i32
      %eq3A_195 = arith.constant 0 : i32
      %eq3A_196 = arith.cmpi eq, %jit3A_194, %eq3A_195 : i32
      %jit3A_197 = arith.constant 1 : i32
      %select_n3A_198 = arith.select %eq3A_196, %jit3A_197, %jit3A_194 : i32
      %rem3A_199 = arith.remsi %scan3A_56, %select_n3A_198 : i32
      %ne3A_200 = arith.constant 0 : i32
      %ne3A_201 = arith.cmpi ne, %rem3A_199, %ne3A_200 : i32
      %lt3A_202 = arith.constant 0 : i32
      %lt3A_203 = arith.cmpi slt, %rem3A_199, %lt3A_202 : i32
      %lt3A_204 = arith.constant 0 : i32
      %lt3A_205 = arith.cmpi slt, %select_n3A_198, %lt3A_204 : i32
      %ne3A_206 = arith.xori %lt3A_203, %lt3A_205 : i1
      %and3A_207 = arith.andi %ne3A_206, %ne3A_201 : i1
      %add3A_208 = arith.addi %rem3A_199, %select_n3A_198 : i32
      %select_n3A_209 = arith.select %and3A_207, %add3A_208, %rem3A_199 : i32
      %mul3A_210 = arith.constant 2 : i32
      %mul3A_211 = arith.muli %select_n3A_209, %mul3A_210 : i32
      %add3A_212 = arith.constant 1 : i32
      %add3A_213 = arith.addi %mul3A_211, %add3A_212 : i32
      %gt3A_214 = arith.constant 0 : i32
      %gt3A_215 = arith.cmpi sgt, %scan3A_56, %gt3A_214 : i32
      %convert_element_type3A_216 = arith.extui %gt3A_215 : i1 to i32
      %cond3A_217 = arith.constant 0 : i32
      %cond3A_218 = arith.cmpi ne, %convert_element_type3A_216, %cond3A_217 : i32
      scf.if %cond3A_218 {
        %dma_wait3A_315 = arith.constant 1 : i32
        %dma_wait3A_316 = arith.constant 1 : i32
        %dma_wait3A_317 = arith.constant 0 : i32
        %dma_wait3A_318 = arith.constant 0 : i32
        %dma_wait3A_319 = tpu.memref_slice %arg7[%dma_wait3A_315, %dma_wait3A_317, %dma_wait3A_318] : memref<2x64x128xf32, #tpu.memory_space<vmem>> -> memref<1x64x128xf32, #tpu.memory_space<vmem>>
        %dma_wait3A_320 = tpu.memref_squeeze %dma_wait3A_319 : memref<1x64x128xf32, #tpu.memory_space<vmem>> -> memref<64x128xf32, #tpu.memory_space<vmem>>
        %dma_wait3A_321 = arith.constant 0 : i32
        %dma_wait3A_322 = arith.constant 0 : i32
        %dma_wait3A_323 = tpu.memref_slice %arg4[%add3A_193, %dma_wait3A_321, %dma_wait3A_322] : memref<200x64x4096xf32, #tpu.memory_space<hbm>> -> memref<1x64x4096xf32, #tpu.memory_space<hbm>>
        %dma_wait3A_324 = tpu.memref_squeeze %dma_wait3A_323 : memref<1x64x4096xf32, #tpu.memory_space<hbm>> -> memref<64x4096xf32, #tpu.memory_space<hbm>>
        %dma_wait3A_325 = arith.constant 0 : i32
        %dma_wait3A_326 = tpu.memref_slice %dma_wait3A_324[%dma_wait3A_325, %mul3A_2] : memref<64x4096xf32, #tpu.memory_space<hbm>> -> memref<64x128xf32, #tpu.memory_space<hbm>>
        %dma_wait3A_327 = tpu.memref_slice %arg8[%dma_wait3A_316] : memref<2x!tpu.dma_semaphore, #tpu.memory_space<semaphore_mem>> -> memref<1x!tpu.dma_semaphore, #tpu.memory_space<semaphore_mem>>
        %dma_wait3A_328 = tpu.memref_squeeze %dma_wait3A_327 : memref<1x!tpu.dma_semaphore, #tpu.memory_space<semaphore_mem>> -> memref<!tpu.dma_semaphore, #tpu.memory_space<semaphore_mem>>
        %dma_wait3A_329 = arith.constant 0 : i32
        %dma_wait3A_330 = arith.constant 0 : i32
        %dma_wait3A_331 = tpu.memref_slice %arg4[%add3A_193, %dma_wait3A_329, %dma_wait3A_330] : memref<200x64x4096xf32, #tpu.memory_space<hbm>> -> memref<1x64x4096xf32, #tpu.memory_space<hbm>>
        %dma_wait3A_332 = tpu.memref_squeeze %dma_wait3A_331 : memref<1x64x4096xf32, #tpu.memory_space<hbm>> -> memref<64x4096xf32, #tpu.memory_space<hbm>>
        %dma_wait3A_333 = arith.constant 0 : i32
        %dma_wait3A_334 = tpu.memref_slice %dma_wait3A_332[%dma_wait3A_333, %mul3A_2] : memref<64x4096xf32, #tpu.memory_space<hbm>> -> memref<64x128xf32, #tpu.memory_space<hbm>>
        %dma_wait3A_335 = arith.constant 0 : i32
        %dma_wait3A_336 = arith.constant 0 : i32
        %dma_wait3A_337 = tpu.memref_slice %arg7[%dma_wait3A_315, %dma_wait3A_335, %dma_wait3A_336] : memref<2x64x128xf32, #tpu.memory_space<vmem>> -> memref<1x64x128xf32, #tpu.memory_space<vmem>>
        %dma_wait3A_338 = tpu.memref_squeeze %dma_wait3A_337 : memref<1x64x128xf32, #tpu.memory_space<vmem>> -> memref<64x128xf32, #tpu.memory_space<vmem>>
        tpu.wait_dma2 semaphore(%dma_wait3A_328 : memref<!tpu.dma_semaphore, #tpu.memory_space<semaphore_mem>>) src(%dma_wait3A_338 : memref<64x128xf32, #tpu.memory_space<vmem>>) dst(%dma_wait3A_334 : memref<64x128xf32, #tpu.memory_space<hbm>>)
      } else {
      }
      %get3A_219 = arith.index_cast %add3A_213 : i32 to index
      %get3A_220 = arith.constant 0 : index
      %get3A_221 = tpu.vector_load %arg6[%get3A_219, %get3A_220] {strides = array<i32>} : memref<8x128xi32, #tpu.memory_space<vmem>>, vector<16xi32>,
      %mul3A_222 = arith.constant 65 : i32
      %mul3A_223 = vector.broadcast %mul3A_222 : i32 to vector<16xi32>
      %mul3A_224 = arith.muli %get3A_221, %mul3A_223 : vector<16xi32>
      %parallel_loop3A_225 = arith.constant 0 : i32
      %parallel_loop3A_226 = arith.constant 64 : i32
      %parallel_loop3A_227 = arith.constant 1 : i32
      scf.for %parallel_loop3A_315 = %parallel_loop3A_225 to %parallel_loop3A_226 step %parallel_loop3A_227  : i32 {
        %parallel_loop3A_316 = vector.broadcast %parallel_loop3A_315 : i32 to vector<16xi32>
        %parallel_loop3A_317 = arith.addi %mul3A_224, %parallel_loop3A_316 : vector<16xi32>
        %parallel_loop3A_318 = tpu.vector_load_idx %arg5[%parallel_loop3A_317] : memref<6500xf32, #tpu.memory_space<vmem>>[vector<16xi32>], vector<16xf32>,
        %parallel_loop3A_319 = arith.constant 1 : i32
        %parallel_loop3A_320 = arith.index_cast %parallel_loop3A_319 : i32 to index
        %parallel_loop3A_321 = arith.index_cast %parallel_loop3A_315 : i32 to index
        %parallel_loop3A_322 = arith.constant 0 : index
        %parallel_loop3A_323 = tpu.vector_load %arg7[%parallel_loop3A_320, %parallel_loop3A_321, %parallel_loop3A_322] {strides = array<i32>} : memref<2x64x128xf32, #tpu.memory_space<vmem>>, vector<16xf32>,
        tpu.vector_store %arg7[%parallel_loop3A_320, %parallel_loop3A_321, %parallel_loop3A_322], %parallel_loop3A_318 {strides = array<i32>} : memref<2x64x128xf32, #tpu.memory_space<vmem>>, vector<16xf32>,
      } {sc.loop_unroll_factor = 8 : i64, sc.parallel_access}
      %get3A_228 = arith.index_cast %add3A_213 : i32 to index
      %get3A_229 = arith.constant 16 : index
      %get3A_230 = tpu.vector_load %arg6[%get3A_228, %get3A_229] {strides = array<i32>} : memref<8x128xi32, #tpu.memory_space<vmem>>, vector<16xi32>,
      %mul3A_231 = arith.constant 65 : i32
      %mul3A_232 = vector.broadcast %mul3A_231 : i32 to vector<16xi32>
      %mul3A_233 = arith.muli %get3A_230, %mul3A_232 : vector<16xi32>
      %parallel_loop3A_234 = arith.constant 0 : i32
      %parallel_loop3A_235 = arith.constant 64 : i32
      %parallel_loop3A_236 = arith.constant 1 : i32
      scf.for %parallel_loop3A_315 = %parallel_loop3A_234 to %parallel_loop3A_235 step %parallel_loop3A_236  : i32 {
        %parallel_loop3A_316 = vector.broadcast %parallel_loop3A_315 : i32 to vector<16xi32>
        %parallel_loop3A_317 = arith.addi %mul3A_233, %parallel_loop3A_316 : vector<16xi32>
        %parallel_loop3A_318 = tpu.vector_load_idx %arg5[%parallel_loop3A_317] : memref<6500xf32, #tpu.memory_space<vmem>>[vector<16xi32>], vector<16xf32>,
        %parallel_loop3A_319 = arith.constant 1 : i32
        %parallel_loop3A_320 = arith.index_cast %parallel_loop3A_319 : i32 to index
        %parallel_loop3A_321 = arith.index_cast %parallel_loop3A_315 : i32 to index
        %parallel_loop3A_322 = arith.constant 16 : index
        %parallel_loop3A_323 = tpu.vector_load %arg7[%parallel_loop3A_320, %parallel_loop3A_321, %parallel_loop3A_322] {strides = array<i32>} : memref<2x64x128xf32, #tpu.memory_space<vmem>>, vector<16xf32>,
        tpu.vector_store %arg7[%parallel_loop3A_320, %parallel_loop3A_321, %parallel_loop3A_322], %parallel_loop3A_318 {strides = array<i32>} : memref<2x64x128xf32, #tpu.memory_space<vmem>>, vector<16xf32>,
      } {sc.loop_unroll_factor = 8 : i64, sc.parallel_access}
      %get3A_237 = arith.index_cast %add3A_213 : i32 to index
      %get3A_238 = arith.constant 32 : index
      %get3A_239 = tpu.vector_load %arg6[%get3A_237, %get3A_238] {strides = array<i32>} : memref<8x128xi32, #tpu.memory_space<vmem>>, vector<16xi32>,
      %mul3A_240 = arith.constant 65 : i32
      %mul3A_241 = vector.broadcast %mul3A_240 : i32 to vector<16xi32>
      %mul3A_242 = arith.muli %get3A_239, %mul3A_241 : vector<16xi32>
      %parallel_loop3A_243 = arith.constant 0 : i32
      %parallel_loop3A_244 = arith.constant 64 : i32
      %parallel_loop3A_245 = arith.constant 1 : i32
      scf.for %parallel_loop3A_315 = %parallel_loop3A_243 to %parallel_loop3A_244 step %parallel_loop3A_245  : i32 {
        %parallel_loop3A_316 = vector.broadcast %parallel_loop3A_315 : i32 to vector<16xi32>
        %parallel_loop3A_317 = arith.addi %mul3A_242, %parallel_loop3A_316 : vector<16xi32>
        %parallel_loop3A_318 = tpu.vector_load_idx %arg5[%parallel_loop3A_317] : memref<6500xf32, #tpu.memory_space<vmem>>[vector<16xi32>], vector<16xf32>,
        %parallel_loop3A_319 = arith.constant 1 : i32
        %parallel_loop3A_320 = arith.index_cast %parallel_loop3A_319 : i32 to index
        %parallel_loop3A_321 = arith.index_cast %parallel_loop3A_315 : i32 to index
        %parallel_loop3A_322 = arith.constant 32 : index
        %parallel_loop3A_323 = tpu.vector_load %arg7[%parallel_loop3A_320, %parallel_loop3A_321, %parallel_loop3A_322] {strides = array<i32>} : memref<2x64x128xf32, #tpu.memory_space<vmem>>, vector<16xf32>,
        tpu.vector_store %arg7[%parallel_loop3A_320, %parallel_loop3A_321, %parallel_loop3A_322], %parallel_loop3A_318 {strides = array<i32>} : memref<2x64x128xf32, #tpu.memory_space<vmem>>, vector<16xf32>,
      } {sc.loop_unroll_factor = 8 : i64, sc.parallel_access}
      %get3A_246 = arith.index_cast %add3A_213 : i32 to index
      %get3A_247 = arith.constant 48 : index
      %get3A_248 = tpu.vector_load %arg6[%get3A_246, %get3A_247] {strides = array<i32>} : memref<8x128xi32, #tpu.memory_space<vmem>>, vector<16xi32>,
      %mul3A_249 = arith.constant 65 : i32
      %mul3A_250 = vector.broadcast %mul3A_249 : i32 to vector<16xi32>
      %mul3A_251 = arith.muli %get3A_248, %mul3A_250 : vector<16xi32>
      %parallel_loop3A_252 = arith.constant 0 : i32
      %parallel_loop3A_253 = arith.constant 64 : i32
      %parallel_loop3A_254 = arith.constant 1 : i32
      scf.for %parallel_loop3A_315 = %parallel_loop3A_252 to %parallel_loop3A_253 step %parallel_loop3A_254  : i32 {
        %parallel_loop3A_316 = vector.broadcast %parallel_loop3A_315 : i32 to vector<16xi32>
        %parallel_loop3A_317 = arith.addi %mul3A_251, %parallel_loop3A_316 : vector<16xi32>
        %parallel_loop3A_318 = tpu.vector_load_idx %arg5[%parallel_loop3A_317] : memref<6500xf32, #tpu.memory_space<vmem>>[vector<16xi32>], vector<16xf32>,
        %parallel_loop3A_319 = arith.constant 1 : i32
        %parallel_loop3A_320 = arith.index_cast %parallel_loop3A_319 : i32 to index
        %parallel_loop3A_321 = arith.index_cast %parallel_loop3A_315 : i32 to index
        %parallel_loop3A_322 = arith.constant 48 : index
        %parallel_loop3A_323 = tpu.vector_load %arg7[%parallel_loop3A_320, %parallel_loop3A_321, %parallel_loop3A_322] {strides = array<i32>} : memref<2x64x128xf32, #tpu.memory_space<vmem>>, vector<16xf32>,
        tpu.vector_store %arg7[%parallel_loop3A_320, %parallel_loop3A_321, %parallel_loop3A_322], %parallel_loop3A_318 {strides = array<i32>} : memref<2x64x128xf32, #tpu.memory_space<vmem>>, vector<16xf32>,
      } {sc.loop_unroll_factor = 8 : i64, sc.parallel_access}
      %get3A_255 = arith.index_cast %add3A_213 : i32 to index
      %get3A_256 = arith.constant 64 : index
      %get3A_257 = tpu.vector_load %arg6[%get3A_255, %get3A_256] {strides = array<i32>} : memref<8x128xi32, #tpu.memory_space<vmem>>, vector<16xi32>,
      %mul3A_258 = arith.constant 65 : i32
      %mul3A_259 = vector.broadcast %mul3A_258 : i32 to vector<16xi32>
      %mul3A_260 = arith.muli %get3A_257, %mul3A_259 : vector<16xi32>
      %parallel_loop3A_261 = arith.constant 0 : i32
      %parallel_loop3A_262 = arith.constant 64 : i32
      %parallel_loop3A_263 = arith.constant 1 : i32
      scf.for %parallel_loop3A_315 = %parallel_loop3A_261 to %parallel_loop3A_262 step %parallel_loop3A_263  : i32 {
        %parallel_loop3A_316 = vector.broadcast %parallel_loop3A_315 : i32 to vector<16xi32>
        %parallel_loop3A_317 = arith.addi %mul3A_260, %parallel_loop3A_316 : vector<16xi32>
        %parallel_loop3A_318 = tpu.vector_load_idx %arg5[%parallel_loop3A_317] : memref<6500xf32, #tpu.memory_space<vmem>>[vector<16xi32>], vector<16xf32>,
        %parallel_loop3A_319 = arith.constant 1 : i32
        %parallel_loop3A_320 = arith.index_cast %parallel_loop3A_319 : i32 to index
        %parallel_loop3A_321 = arith.index_cast %parallel_loop3A_315 : i32 to index
        %parallel_loop3A_322 = arith.constant 64 : index
        %parallel_loop3A_323 = tpu.vector_load %arg7[%parallel_loop3A_320, %parallel_loop3A_321, %parallel_loop3A_322] {strides = array<i32>} : memref<2x64x128xf32, #tpu.memory_space<vmem>>, vector<16xf32>,
        tpu.vector_store %arg7[%parallel_loop3A_320, %parallel_loop3A_321, %parallel_loop3A_322], %parallel_loop3A_318 {strides = array<i32>} : memref<2x64x128xf32, #tpu.memory_space<vmem>>, vector<16xf32>,
      } {sc.loop_unroll_factor = 8 : i64, sc.parallel_access}
      %get3A_264 = arith.index_cast %add3A_213 : i32 to index
      %get3A_265 = arith.constant 80 : index
      %get3A_266 = tpu.vector_load %arg6[%get3A_264, %get3A_265] {strides = array<i32>} : memref<8x128xi32, #tpu.memory_space<vmem>>, vector<16xi32>,
      %mul3A_267 = arith.constant 65 : i32
      %mul3A_268 = vector.broadcast %mul3A_267 : i32 to vector<16xi32>
      %mul3A_269 = arith.muli %get3A_266, %mul3A_268 : vector<16xi32>
      %parallel_loop3A_270 = arith.constant 0 : i32
      %parallel_loop3A_271 = arith.constant 64 : i32
      %parallel_loop3A_272 = arith.constant 1 : i32
      scf.for %parallel_loop3A_315 = %parallel_loop3A_270 to %parallel_loop3A_271 step %parallel_loop3A_272  : i32 {
        %parallel_loop3A_316 = vector.broadcast %parallel_loop3A_315 : i32 to vector<16xi32>
        %parallel_loop3A_317 = arith.addi %mul3A_269, %parallel_loop3A_316 : vector<16xi32>
        %parallel_loop3A_318 = tpu.vector_load_idx %arg5[%parallel_loop3A_317] : memref<6500xf32, #tpu.memory_space<vmem>>[vector<16xi32>], vector<16xf32>,
        %parallel_loop3A_319 = arith.constant 1 : i32
        %parallel_loop3A_320 = arith.index_cast %parallel_loop3A_319 : i32 to index
        %parallel_loop3A_321 = arith.index_cast %parallel_loop3A_315 : i32 to index
        %parallel_loop3A_322 = arith.constant 80 : index
        %parallel_loop3A_323 = tpu.vector_load %arg7[%parallel_loop3A_320, %parallel_loop3A_321, %parallel_loop3A_322] {strides = array<i32>} : memref<2x64x128xf32, #tpu.memory_space<vmem>>, vector<16xf32>,
        tpu.vector_store %arg7[%parallel_loop3A_320, %parallel_loop3A_321, %parallel_loop3A_322], %parallel_loop3A_318 {strides = array<i32>} : memref<2x64x128xf32, #tpu.memory_space<vmem>>, vector<16xf32>,
      } {sc.loop_unroll_factor = 8 : i64, sc.parallel_access}
      %get3A_273 = arith.index_cast %add3A_213 : i32 to index
      %get3A_274 = arith.constant 96 : index
      %get3A_275 = tpu.vector_load %arg6[%get3A_273, %get3A_274] {strides = array<i32>} : memref<8x128xi32, #tpu.memory_space<vmem>>, vector<16xi32>,
      %mul3A_276 = arith.constant 65 : i32
      %mul3A_277 = vector.broadcast %mul3A_276 : i32 to vector<16xi32>
      %mul3A_278 = arith.muli %get3A_275, %mul3A_277 : vector<16xi32>
      %parallel_loop3A_279 = arith.constant 0 : i32
      %parallel_loop3A_280 = arith.constant 64 : i32
      %parallel_loop3A_281 = arith.constant 1 : i32
      scf.for %parallel_loop3A_315 = %parallel_loop3A_279 to %parallel_loop3A_280 step %parallel_loop3A_281  : i32 {
        %parallel_loop3A_316 = vector.broadcast %parallel_loop3A_315 : i32 to vector<16xi32>
        %parallel_loop3A_317 = arith.addi %mul3A_278, %parallel_loop3A_316 : vector<16xi32>
        %parallel_loop3A_318 = tpu.vector_load_idx %arg5[%parallel_loop3A_317] : memref<6500xf32, #tpu.memory_space<vmem>>[vector<16xi32>], vector<16xf32>,
        %parallel_loop3A_319 = arith.constant 1 : i32
        %parallel_loop3A_320 = arith.index_cast %parallel_loop3A_319 : i32 to index
        %parallel_loop3A_321 = arith.index_cast %parallel_loop3A_315 : i32 to index
        %parallel_loop3A_322 = arith.constant 96 : index
        %parallel_loop3A_323 = tpu.vector_load %arg7[%parallel_loop3A_320, %parallel_loop3A_321, %parallel_loop3A_322] {strides = array<i32>} : memref<2x64x128xf32, #tpu.memory_space<vmem>>, vector<16xf32>,
        tpu.vector_store %arg7[%parallel_loop3A_320, %parallel_loop3A_321, %parallel_loop3A_322], %parallel_loop3A_318 {strides = array<i32>} : memref<2x64x128xf32, #tpu.memory_space<vmem>>, vector<16xf32>,
      } {sc.loop_unroll_factor = 8 : i64, sc.parallel_access}
      %get3A_282 = arith.index_cast %add3A_213 : i32 to index
      %get3A_283 = arith.constant 112 : index
      %get3A_284 = tpu.vector_load %arg6[%get3A_282, %get3A_283] {strides = array<i32>} : memref<8x128xi32, #tpu.memory_space<vmem>>, vector<16xi32>,
      %mul3A_285 = arith.constant 65 : i32
      %mul3A_286 = vector.broadcast %mul3A_285 : i32 to vector<16xi32>
      %mul3A_287 = arith.muli %get3A_284, %mul3A_286 : vector<16xi32>
      %parallel_loop3A_288 = arith.constant 0 : i32
      %parallel_loop3A_289 = arith.constant 64 : i32
      %parallel_loop3A_290 = arith.constant 1 : i32
      scf.for %parallel_loop3A_315 = %parallel_loop3A_288 to %parallel_loop3A_289 step %parallel_loop3A_290  : i32 {
        %parallel_loop3A_316 = vector.broadcast %parallel_loop3A_315 : i32 to vector<16xi32>
        %parallel_loop3A_317 = arith.addi %mul3A_287, %parallel_loop3A_316 : vector<16xi32>
        %parallel_loop3A_318 = tpu.vector_load_idx %arg5[%parallel_loop3A_317] : memref<6500xf32, #tpu.memory_space<vmem>>[vector<16xi32>], vector<16xf32>,
        %parallel_loop3A_319 = arith.constant 1 : i32
        %parallel_loop3A_320 = arith.index_cast %parallel_loop3A_319 : i32 to index
        %parallel_loop3A_321 = arith.index_cast %parallel_loop3A_315 : i32 to index
        %parallel_loop3A_322 = arith.constant 112 : index
        %parallel_loop3A_323 = tpu.vector_load %arg7[%parallel_loop3A_320, %parallel_loop3A_321, %parallel_loop3A_322] {strides = array<i32>} : memref<2x64x128xf32, #tpu.memory_space<vmem>>, vector<16xf32>,
        tpu.vector_store %arg7[%parallel_loop3A_320, %parallel_loop3A_321, %parallel_loop3A_322], %parallel_loop3A_318 {strides = array<i32>} : memref<2x64x128xf32, #tpu.memory_space<vmem>>, vector<16xf32>,
      } {sc.loop_unroll_factor = 8 : i64, sc.parallel_access}
      %dma_start3A_291 = arith.constant 1 : i32
      %dma_start3A_292 = arith.constant 1 : i32
      %dma_start3A_293 = arith.constant 0 : i32
      %dma_start3A_294 = arith.constant 0 : i32
      %dma_start3A_295 = tpu.memref_slice %arg7[%dma_start3A_291, %dma_start3A_293, %dma_start3A_294] : memref<2x64x128xf32, #tpu.memory_space<vmem>> -> memref<1x64x128xf32, #tpu.memory_space<vmem>>
      %dma_start3A_296 = tpu.memref_squeeze %dma_start3A_295 : memref<1x64x128xf32, #tpu.memory_space<vmem>> -> memref<64x128xf32, #tpu.memory_space<vmem>>
      %dma_start3A_297 = arith.constant 0 : i32
      %dma_start3A_298 = arith.constant 0 : i32
      %dma_start3A_299 = tpu.memref_slice %arg4[%add3A_193, %dma_start3A_297, %dma_start3A_298] : memref<200x64x4096xf32, #tpu.memory_space<hbm>> -> memref<1x64x4096xf32, #tpu.memory_space<hbm>>
      %dma_start3A_300 = tpu.memref_squeeze %dma_start3A_299 : memref<1x64x4096xf32, #tpu.memory_space<hbm>> -> memref<64x4096xf32, #tpu.memory_space<hbm>>
      %dma_start3A_301 = arith.constant 0 : i32
      %dma_start3A_302 = tpu.memref_slice %dma_start3A_300[%dma_start3A_301, %mul3A_2] : memref<64x4096xf32, #tpu.memory_space<hbm>> -> memref<64x128xf32, #tpu.memory_space<hbm>>
      %dma_start3A_303 = tpu.memref_slice %arg8[%dma_start3A_292] : memref<2x!tpu.dma_semaphore, #tpu.memory_space<semaphore_mem>> -> memref<1x!tpu.dma_semaphore, #tpu.memory_space<semaphore_mem>>
      %dma_start3A_304 = tpu.memref_squeeze %dma_start3A_303 : memref<1x!tpu.dma_semaphore, #tpu.memory_space<semaphore_mem>> -> memref<!tpu.dma_semaphore, #tpu.memory_space<semaphore_mem>>
      %dma_start3A_305 = arith.constant 0 : i32
      %dma_start3A_306 = arith.constant 0 : i32
      %dma_start3A_307 = tpu.memref_slice %arg4[%add3A_193, %dma_start3A_305, %dma_start3A_306] : memref<200x64x4096xf32, #tpu.memory_space<hbm>> -> memref<1x64x4096xf32, #tpu.memory_space<hbm>>
      %dma_start3A_308 = tpu.memref_squeeze %dma_start3A_307 : memref<1x64x4096xf32, #tpu.memory_space<hbm>> -> memref<64x4096xf32, #tpu.memory_space<hbm>>
      %dma_start3A_309 = arith.constant 0 : i32
      %dma_start3A_310 = tpu.memref_slice %dma_start3A_308[%dma_start3A_309, %mul3A_2] : memref<64x4096xf32, #tpu.memory_space<hbm>> -> memref<64x128xf32, #tpu.memory_space<hbm>>
      %dma_start3A_311 = arith.constant 0 : i32
      %dma_start3A_312 = arith.constant 0 : i32
      %dma_start3A_313 = tpu.memref_slice %arg7[%dma_start3A_291, %dma_start3A_311, %dma_start3A_312] : memref<2x64x128xf32, #tpu.memory_space<vmem>> -> memref<1x64x128xf32, #tpu.memory_space<vmem>>
      %dma_start3A_314 = tpu.memref_squeeze %dma_start3A_313 : memref<1x64x128xf32, #tpu.memory_space<vmem>> -> memref<64x128xf32, #tpu.memory_space<vmem>>
      tpu.enqueue_dma source(%dma_start3A_314 : memref<64x128xf32, #tpu.memory_space<vmem>>) target(%dma_start3A_310 : memref<64x128xf32, #tpu.memory_space<hbm>>) target_semaphore(%dma_start3A_304 : memref<!tpu.dma_semaphore, #tpu.memory_space<semaphore_mem>>)
    }
    %scan3A_6 = arith.constant 100 : i32
    %dma_wait3A = arith.constant 0 : i32
    %dma_wait3A_7 = arith.constant 198 : i32
    %dma_wait3A_8 = arith.constant 0 : i32
    %dma_wait3A_9 = arith.constant 0 : i32
    %dma_wait3A_10 = arith.constant 0 : i32
    %dma_wait3A_11 = tpu.memref_slice %arg7[%dma_wait3A, %dma_wait3A_9, %dma_wait3A_10] : memref<2x64x128xf32, #tpu.memory_space<vmem>> -> memref<1x64x128xf32, #tpu.memory_space<vmem>>
    %dma_wait3A_12 = tpu.memref_squeeze %dma_wait3A_11 : memref<1x64x128xf32, #tpu.memory_space<vmem>> -> memref<64x128xf32, #tpu.memory_space<vmem>>
    %dma_wait3A_13 = arith.constant 0 : i32
    %dma_wait3A_14 = arith.constant 0 : i32
    %dma_wait3A_15 = tpu.memref_slice %arg4[%dma_wait3A_7, %dma_wait3A_13, %dma_wait3A_14] : memref<200x64x4096xf32, #tpu.memory_space<hbm>> -> memref<1x64x4096xf32, #tpu.memory_space<hbm>>
    %dma_wait3A_16 = tpu.memref_squeeze %dma_wait3A_15 : memref<1x64x4096xf32, #tpu.memory_space<hbm>> -> memref<64x4096xf32, #tpu.memory_space<hbm>>
    %dma_wait3A_17 = arith.constant 0 : i32
    %dma_wait3A_18 = tpu.memref_slice %dma_wait3A_16[%dma_wait3A_17, %mul3A_2] : memref<64x4096xf32, #tpu.memory_space<hbm>> -> memref<64x128xf32, #tpu.memory_space<hbm>>
    %dma_wait3A_19 = tpu.memref_slice %arg8[%dma_wait3A_8] : memref<2x!tpu.dma_semaphore, #tpu.memory_space<semaphore_mem>> -> memref<1x!tpu.dma_semaphore, #tpu.memory_space<semaphore_mem>>
    %dma_wait3A_20 = tpu.memref_squeeze %dma_wait3A_19 : memref<1x!tpu.dma_semaphore, #tpu.memory_space<semaphore_mem>> -> memref<!tpu.dma_semaphore, #tpu.memory_space<semaphore_mem>>
    %dma_wait3A_21 = arith.constant 0 : i32
    %dma_wait3A_22 = arith.constant 0 : i32
    %dma_wait3A_23 = tpu.memref_slice %arg4[%dma_wait3A_7, %dma_wait3A_21, %dma_wait3A_22] : memref<200x64x4096xf32, #tpu.memory_space<hbm>> -> memref<1x64x4096xf32, #tpu.memory_space<hbm>>
    %dma_wait3A_24 = tpu.memref_squeeze %dma_wait3A_23 : memref<1x64x4096xf32, #tpu.memory_space<hbm>> -> memref<64x4096xf32, #tpu.memory_space<hbm>>
    %dma_wait3A_25 = arith.constant 0 : i32
    %dma_wait3A_26 = tpu.memref_slice %dma_wait3A_24[%dma_wait3A_25, %mul3A_2] : memref<64x4096xf32, #tpu.memory_space<hbm>> -> memref<64x128xf32, #tpu.memory_space<hbm>>
    %dma_wait3A_27 = arith.constant 0 : i32
    %dma_wait3A_28 = arith.constant 0 : i32
    %dma_wait3A_29 = tpu.memref_slice %arg7[%dma_wait3A, %dma_wait3A_27, %dma_wait3A_28] : memref<2x64x128xf32, #tpu.memory_space<vmem>> -> memref<1x64x128xf32, #tpu.memory_space<vmem>>
    %dma_wait3A_30 = tpu.memref_squeeze %dma_wait3A_29 : memref<1x64x128xf32, #tpu.memory_space<vmem>> -> memref<64x128xf32, #tpu.memory_space<vmem>>
    tpu.wait_dma2 semaphore(%dma_wait3A_20 : memref<!tpu.dma_semaphore, #tpu.memory_space<semaphore_mem>>) src(%dma_wait3A_30 : memref<64x128xf32, #tpu.memory_space<vmem>>) dst(%dma_wait3A_26 : memref<64x128xf32, #tpu.memory_space<hbm>>)
    %dma_wait3A_31 = arith.constant 1 : i32
    %dma_wait3A_32 = arith.constant 199 : i32
    %dma_wait3A_33 = arith.constant 1 : i32
    %dma_wait3A_34 = arith.constant 0 : i32
    %dma_wait3A_35 = arith.constant 0 : i32
    %dma_wait3A_36 = tpu.memref_slice %arg7[%dma_wait3A_31, %dma_wait3A_34, %dma_wait3A_35] : memref<2x64x128xf32, #tpu.memory_space<vmem>> -> memref<1x64x128xf32, #tpu.memory_space<vmem>>
    %dma_wait3A_37 = tpu.memref_squeeze %dma_wait3A_36 : memref<1x64x128xf32, #tpu.memory_space<vmem>> -> memref<64x128xf32, #tpu.memory_space<vmem>>
    %dma_wait3A_38 = arith.constant 0 : i32
    %dma_wait3A_39 = arith.constant 0 : i32
    %dma_wait3A_40 = tpu.memref_slice %arg4[%dma_wait3A_32, %dma_wait3A_38, %dma_wait3A_39] : memref<200x64x4096xf32, #tpu.memory_space<hbm>> -> memref<1x64x4096xf32, #tpu.memory_space<hbm>>
    %dma_wait3A_41 = tpu.memref_squeeze %dma_wait3A_40 : memref<1x64x4096xf32, #tpu.memory_space<hbm>> -> memref<64x4096xf32, #tpu.memory_space<hbm>>
    %dma_wait3A_42 = arith.constant 0 : i32
    %dma_wait3A_43 = tpu.memref_slice %dma_wait3A_41[%dma_wait3A_42, %mul3A_2] : memref<64x4096xf32, #tpu.memory_space<hbm>> -> memref<64x128xf32, #tpu.memory_space<hbm>>
    %dma_wait3A_44 = tpu.memref_slice %arg8[%dma_wait3A_33] : memref<2x!tpu.dma_semaphore, #tpu.memory_space<semaphore_mem>> -> memref<1x!tpu.dma_semaphore, #tpu.memory_space<semaphore_mem>>
    %dma_wait3A_45 = tpu.memref_squeeze %dma_wait3A_44 : memref<1x!tpu.dma_semaphore, #tpu.memory_space<semaphore_mem>> -> memref<!tpu.dma_semaphore, #tpu.memory_space<semaphore_mem>>
    %dma_wait3A_46 = arith.constant 0 : i32
    %dma_wait3A_47 = arith.constant 0 : i32
    %dma_wait3A_48 = tpu.memref_slice %arg4[%dma_wait3A_32, %dma_wait3A_46, %dma_wait3A_47] : memref<200x64x4096xf32, #tpu.memory_space<hbm>> -> memref<1x64x4096xf32, #tpu.memory_space<hbm>>
    %dma_wait3A_49 = tpu.memref_squeeze %dma_wait3A_48 : memref<1x64x4096xf32, #tpu.memory_space<hbm>> -> memref<64x4096xf32, #tpu.memory_space<hbm>>
    %dma_wait3A_50 = arith.constant 0 : i32
    %dma_wait3A_51 = tpu.memref_slice %dma_wait3A_49[%dma_wait3A_50, %mul3A_2] : memref<64x4096xf32, #tpu.memory_space<hbm>> -> memref<64x128xf32, #tpu.memory_space<hbm>>
    %dma_wait3A_52 = arith.constant 0 : i32
    %dma_wait3A_53 = arith.constant 0 : i32
    %dma_wait3A_54 = tpu.memref_slice %arg7[%dma_wait3A_31, %dma_wait3A_52, %dma_wait3A_53] : memref<2x64x128xf32, #tpu.memory_space<vmem>> -> memref<1x64x128xf32, #tpu.memory_space<vmem>>
    %dma_wait3A_55 = tpu.memref_squeeze %dma_wait3A_54 : memref<1x64x128xf32, #tpu.memory_space<vmem>> -> memref<64x128xf32, #tpu.memory_space<vmem>>
    tpu.wait_dma2 semaphore(%dma_wait3A_45 : memref<!tpu.dma_semaphore, #tpu.memory_space<semaphore_mem>>) src(%dma_wait3A_55 : memref<64x128xf32, #tpu.memory_space<vmem>>) dst(%dma_wait3A_51 : memref<64x128xf32, #tpu.memory_space<hbm>>)
    return
  }
}

</mosaic_0001>

<sc_bundles>
// kernel: kernel.3.cloned.1.call-start
scs
__scs_entry_jumppad:
0x0: {  	(pc) =	sbr.rel $0x88, $3  }
0x1: {  	(tag) =	ssettag $0x0;
	lr =	simm.s32 $0x1  }
0x2: {  	[smem:$0x3F9F] =	sst lr;
	_ =	strace $0xD0000000  }
0x3: {  	_ = 	snop  }
0x4: {  	_ = 	snop  }
0x5: {  	_ = 	snop  }
0x6: {  	_ = 	snop  }
0x7: {  	_ = 	snop  }
__scs_overlays_trampoline_lowered:
0x8: {  	[smem:$0x3FAE] =	sst s0  }
0x9: {  	[smem:$0x3FAF] =	sst s1  }
0xa: {  	[smem:$0x3FB0] =	sst s2  }
0xb: {  	[smem:$0x3FB1] =	sst s3  }
0xc: {  	[smem:$0x3FB2] =	sst s4  }
0xd: {  	[smem:$0x3FB3] =	sst s5  }
0xe: {  	[smem:$0x3FB4] =	sst s6  }
0xf: {  	[smem:$0x3FB5] =	sst s7  }
0x10: {  	[smem:$0x3FB6] =	sst s8  }
0x11: {  	[smem:$0x3FB7] =	sst s9;
	s0 =	simm.s32 @!p0 $0x0  }
0x12: {  	s1 =	sld [smem:$0x3F9D];
	s0 =	simm.s32 @p0 $0x1  }
0x13: {  	[smem:$0x3FB8] =	sst s0;
	s0 =	simm.s32 @!p1 $0x0  }
0x14: {  	s2 =	sld [smem:$0x3F9C];
	s0 =	simm.s32 @p1 $0x1  }
0x15: {  	[smem:$0x3FB9] =	sst s0;
	s0 =	simm.s32 @!p2 $0x0  }
0x16: {  	s3 =	sld [smem:$0x3FDB];
	s0 =	simm.s32 @p2 $0x1  }
0x17: {  	s4 =	simm.s32 $0x1BF5;
	[smem:$0x3FBB] =	sst s0  }
0x18: {  	s0 =	sld [smem:$0x3F9E];
	_ =	swait.ge [sflag:s4], $0x0  }
0x19: {  	s7 =	sld [smem:$0x3F9F]  }
0x1a: {  	s8 =	sadd.s32 $0xFFFFE003, lr  }
0x1b: {  	s9 =	sadd.s32 $0xFFFFFEF7, lr;
	s5 =	simm.s32 $0xFFFFFFFF;
	p2 =	slt.u32 s8, $0xFFFFF086  }
0x1c: {  	p1 =	slt.u32 s9, $0xF7A;
	s5 =	simm.s32 @!p2 $0x0  }
0x1d: {  	s5 =	simm.s32 @p1 $0x1;
	p0 =	seq.s32 s7, s2  }
0x1e: {  	s7 =	smul.u32 @!p0 $0xF7A, s2;
	p2 =	seq.s32 @!p0 s5, $0x0  }
0x1f: {  	s9 =	smul.u32 $0xF7A, s1;
	s8 =	simm.s32 @!p0 $0x1BF5;
	p2 =	por !p2, p0  }
0x20: {  	[sflag:s8] =	ssyncset.s32 @!p0 $0xFFFFF086;
	s6 =	sadd.s32 @!p0 s3, s7;
	s7 =	simm.s32 @!p0 $0x108  }
0x21: {  	s3 =	sadd.s32 s3, s9;
	s6 =	sadd.s32 @!p0 $0x88, s6;
	s7 =	simm.s32 @p2 $0x1082  }
0x22: {  	[simem:s7], [sflag:s8] =	dma.local @!p0 [hbm:s6], $0xF7A  }
0x23: {  	s9 =	sor.u32 $0xD0000000, s2;
	s6 =	simm.s32 $0x108;
	_ =	swait.ge @!p0 [sflag:s8], $0x0  }
0x24: {  	s3 =	sadd.s32 $0x88, s3;
	s6 =	simm.s32 @!p1 $0x1082;
	[sflag:s4] =	ssyncset.s32 $0xFFFFF086  }
0x25: {  	[simem:s6], [sflag:s4] =	dma.local [hbm:s3], $0xF7A  }
0x26: {  	[smem:$0x3F9F] =	sst s1;
	(tag) =	ssettag s2;
	_ =	strace s9  }
0x27: {  	s1 =	sld [smem:$0x3FAF]  }
0x28: {  	s2 =	sld [smem:$0x3FB0]  }
0x29: {  	s4 =	sld [smem:$0x3FB2]  }
0x2a: {  	p0 =	seq.s32 s5, $0x0;
	s5 =	sld [smem:$0x3FB3]  }
0x2b: {  	s6 =	sld [smem:$0x3FB4]  }
0x2c: {  	s7 =	sld [smem:$0x3FB5]  }
0x2d: {  	s3 =	simm.s32 $0x108;
	s8 =	sld [smem:$0x3FB6]  }
0x2e: {  	s3 =	simm.s32 @!p0 $0x1082;
	s9 =	sld [smem:$0x3FB7]  }
0x2f: {  	lr =	sadd.s32 s0, s3;
	s0 =	sld [smem:$0x3FAE]  }
0x30: {  	s3 =	sld [smem:$0x3FB1]  }
0x31: {  	[smem:$0x3FBA] =	sst s10  }
0x32: {  	s10 =	sld [smem:$0x3FB8];
	_ =	sdelay $0x3  }
0x33: {  	p0 =	seq.s32 s10, $0x1;
	s10 =	sld [smem:$0x3FBA];
	_ =	sdelay $0x3  }
0x34: {  	[smem:$0x3FBA] =	sst s10  }
0x35: {  	s10 =	sld [smem:$0x3FB9];
	_ =	sdelay $0x3  }
0x36: {  	p1 =	seq.s32 s10, $0x1;
	s10 =	sld [smem:$0x3FBA];
	_ =	sdelay $0x3  }
0x37: {  	[smem:$0x3FBA] =	sst s10  }
0x38: {  	s10 =	sld [smem:$0x3FBB]  }
0x39: {  	_ = 	snop;
	(pc) =	sbr.ind lr, $3  }
0x3a: {  	_ = 	snop  }
0x3b: {  	_ = 	snop  }
0x3c: {  	p2 =	seq.s32 s10, $0x1;
	s10 =	sld [smem:$0x3FBA]  }
0x3d: {  	_ =	shalt  }
0x3e: {  	_ =	shalt  }
0x3f: {  	_ =	shalt  }
0x40: {  	_ =	shalt  }
0x41: {  	_ =	shalt  }
0x42: {  	_ =	shalt  }
0x43: {  	_ =	shalt  }
0x44: {  	_ =	shalt  }
0x45: {  	_ =	shalt  }
0x46: {  	_ =	shalt  }
0x47: {  	_ =	shalt  }
0x48: {  	_ =	shalt  }
0x49: {  	_ =	shalt  }
0x4a: {  	_ =	shalt  }
0x4b: {  	_ =	shalt  }
0x4c: {  	_ =	shalt  }
0x4d: {  	_ =	shalt  }
0x4e: {  	_ =	shalt  }
0x4f: {  	_ =	shalt  }
0x50: {  	_ =	shalt  }
0x51: {  	_ =	shalt  }
0x52: {  	_ =	shalt  }
0x53: {  	_ =	shalt  }
0x54: {  	_ =	shalt  }
0x55: {  	_ =	shalt  }
0x56: {  	_ =	shalt  }
0x57: {  	_ =	shalt  }
0x58: {  	_ =	shalt  }
0x59: {  	_ =	shalt  }
0x5a: {  	_ =	shalt  }
0x5b: {  	_ =	shalt  }
0x5c: {  	_ =	shalt  }
0x5d: {  	_ =	shalt  }
0x5e: {  	_ =	shalt  }
0x5f: {  	_ =	shalt  }
0x60: {  	_ =	shalt  }
0x61: {  	_ =	shalt  }
0x62: {  	_ =	shalt  }
0x63: {  	_ =	shalt  }
0x64: {  	_ =	shalt  }
0x65: {  	_ =	shalt  }
0x66: {  	_ =	shalt  }
0x67: {  	_ =	shalt  }
0x68: {  	_ =	shalt  }
0x69: {  	_ =	shalt  }
0x6a: {  	_ =	shalt  }
0x6b: {  	_ =	shalt  }
0x6c: {  	_ =	shalt  }
0x6d: {  	_ =	shalt  }
0x6e: {  	_ =	shalt  }
0x6f: {  	_ =	shalt  }
0x70: {  	_ =	shalt  }
0x71: {  	_ =	shalt  }
0x72: {  	_ =	shalt  }
0x73: {  	_ =	shalt  }
0x74: {  	_ =	shalt  }
0x75: {  	_ =	shalt  }
0x76: {  	_ =	shalt  }
0x77: {  	_ =	shalt  }
0x78: {  	_ =	shalt  }
0x79: {  	_ =	shalt  }
0x7a: {  	_ =	shalt  }
0x7b: {  	_ =	shalt  }
0x7c: {  	_ =	shalt  }
0x7d: {  	_ =	shalt  }
0x7e: {  	_ =	shalt  }
0x7f: {  	_ =	shalt  }
0x80: {  	_ =	shalt  }
0x81: {  	_ =	shalt  }
0x82: {  	_ =	shalt  }
0x83: {  	_ =	shalt  }
0x84: {  	_ =	shalt  }
0x85: {  	_ =	shalt  }
0x86: {  	_ =	shalt  }
0x87: {  	_ =	shalt  }
.Lfunc_end0:
.L_simem_size_0:
called_computation_lowered:
.L_overlay_start_0:
0x88: {  	s2 =	sld [smem:$0x3FD9]  }
0x89: {  	s3 =	sld [smem:$0x3FFE];
	_ =	sdelay $0x1  }
0x8a: {  	s1 =	srdreg.scid  }
0x8b: {  	s0 =	sand.u32 $0x1, s1  }
0x8c: {  	s17 =	sshll.u32 s0, $0xA;
	s2 =	sadd.s32 s3, s2  }
0x8d: {  	s2 =	sadd.s32 s2, s17  }
0x8e: {  	[smem:$0x3FC6] =	sst s2  }
0x8f: {  	_ = 	snop  }
0x90: {  	s2 =	sld [smem:$0x3FC9]  }
0x91: {  	s18 =	sld [smem:$0x3FD0];
	(tm) =	ssettm $0x1  }
0x92: {  	s4 =	sld [smem:$0x3FFB];
	_ =	sdelay $0x3  }
0x93: {  	_ =	strace s4  }
0x94: {  	s4 =	sld [smem:$0x3FFC];
	_ =	sdelay $0x3  }
0x95: {  	_ =	strace s4  }
0x96: {  	s4 =	sld [smem:$0x3FFD];
	_ =	sdelay $0x3  }
0x97: {  	_ =	strace s4  }
0x98: {  	_ =	strace $0x8FFFFFFF  }
0x99: {  	s19 =	sld [smem:$0x3FDB];
	_ =	sdelay $0x1  }
0x9a: {  	s5 =	simm.s32 $_scs_section_size  }
0x9b: {  	s6 =	simm.s32 $_size__tile_overlayer_lowered;
	s7 =	simm.s32 $_tile_overlayer_lowered  }
0x9c: {  	s22 =	simm.s32 $0x1BFF;
	s21 =	sshll.u32 s7, $0x1;
	s4 =	sadd.s32 s5, s19  }
0x9d: {  	s8 =	simm.s32 $0x0;
	s20 =	sshll.u32 s6, $0x1;
	s6 =	sadd.s32 s21, s4  }
0x9e: {  	[timem:s8], [sflag:s22] =	dma.local [hbm:s6], s20  }
0x9f: {  	_ =	swait.ge [sflag:s22], s20  }
0xa0: {  	s5 =	ssub.s32 $0x0, s20;
	[sflag:s22] =	ssyncset.done $0x0  }
0xa1: {  	[sflag:s22] =	ssyncadd.s32 s5;
	_ =	sdelay $0x1  }
0xa2: {  	s23 =	simm.s32 $0x1B8B  }
0xa3: {  	_ =	swait.ge [sflag:s23], $0x1  }
0xa4: {  	[sflag:s23] =	ssyncset.done $0x0  }
0xa5: {  	s25 =	simm.s32 $0x1B8E;
	s24 =	sld [smem:$0x3FFE];
	[sflag:s23] =	ssyncadd.s32 $0xFFFFFFFF  }
0xa6: {  	s26 =	simm.s32 $execute0_lowered;
	[smem:$0x3FD2] =	sst s25  }
0xa7: {  	s6 =	sshll.u32 s26, $0x1;
	_ =	strace $0x80000046;
	[dreg:$0x1] =	wrdreg $0xFFFFFFFF  }
0xa8: {  	s28 =	simm.s32 $_size_execute0_lowered;
	s4 =	sadd.s32 s4, s6;
	[dreg:$0x0] =	wrdreg $0x0  }
0xa9: {  	s6 =	sshll.u32 s28, $0x1;
	[dreg:$0x2] =	wrdreg s4  }
0xaa: {  	[dreg:$0x3] =	wrdreg s6  }
0xab: {  	[dreg:$0x4] =	wrdreg $0xC0  }
0xac: {  	_ =	task [dreg:s8], $0x5FFFF  }
0xad: {  	[dreg:$0x1] =	wrdreg $0xFFFFFFFF  }
0xae: {  	[dreg:$0x0] =	wrdreg $0x60  }
0xaf: {  	[dreg:$0x2] =	wrdreg s24  }
0xb0: {  	[dreg:$0x3] =	wrdreg s2  }
0xb1: {  	[dreg:$0x4] =	wrdreg s18  }
0xb2: {  	[dreg:$0x5] =	wrdreg $0x9  }
0xb3: {  	_ =	task.clear_ibuf [dreg:s8], $0x6FFFF;
	_ =	strace $0x90000046  }
0xb4: {  	s29 =	simm.s32 $0x9;
	_ =	strace $0x80000048  }
0xb5: {  	_ =	swait.ge [sflag:s29], $0x1  }
0xb6: {  	[sflag:s29] =	ssyncadd.s32 $0xFFFFFFFF  }
0xb7: {  	_ =	strace $0x90000048  }
0xb8: {  	_ =	sfence  }
0xb9: {  	s30 =	sld [smem:$0x0];
	_ =	sdelay $0x2  }
0xba: {  	s31 =	sshll.u32 s1, $0xD;
	s1 =	sshrl.u32 s1, $0x2  }
0xbb: {  	s3 =	sand.u32 $0x4000, s31;
	s1 =	sadd.s32 s1, s30  }
0xbc: {  	s0 =	sor.u32 s3, s0;
	s1 =	sshll.u32 s1, $0x11  }
0xbd: {  	s0 =	sor.u32 s1, s0  }
0xbe: {  	s0 =	sadd.s32 $0x8F2B, s0  }
0xbf: {  	[sflag:s0] =	ssyncadd.remote.s32 $0x1  }
0xc0: {  	_ =	sfence.sel $0xFFFF  }
0xc1: {  	[dreg:$0x0] =	wrdreg $0xFFFFFFFF;
	(pc) =	sbr.abs _section_cstart, $3  }
0xc2: {  	[dreg:$0x1] =	wrdreg $0xFFFFFFFF  }
0xc3: {  	_ =	task.clear_ibuf [dreg:s8], $0x2FFFF;
	_ =	strace $0x9FFFFFFF  }
0xc4: {  	(tm) =	ssettm $0x7FFFFFFF  }
0xc5: {  	_ =	shalt  }
tec
execute0_lowered:
.L_overlay_start_1:
0x0: {  	(tag) =	ssettag $0x1  }
0x1: {  	s4 =	rddreg [dreg:$0x0]  }
0x2: {  	s6 =	rddreg [dreg:$0x1]  }
0x3: {  	s1 =	rddreg [dreg:$0x2]  }
0x4: {  	s0 =	rddreg [dreg:$0x3];
	s2 =	simm.s32 $0x0;
	s3 =	srdreg.scid  }
0x5: {  	s10 =	simm.s32 $0x1980;
	s11 =	simm.s32 $0x400;
	s12 =	simm.s32 $0x8000  }
0x6: {  	s13 =	simm.s32 $0x1D80;
	s14 =	simm.s32 $0x3D80;
	s15 =	simm.s32 $0x1  }
0x7: {  	s16 =	simm.s32 $0x2;
	s17 =	simm.s32 $0x0;
	[smem:$0x7FF] =	sst s2  }
.Ltmp0:
0x8: {  	s5 =	sand.u32 $0x1, s3;
	s3 =	stileid.u32;
	(pc) =	sbr.rel .LBB2_1-.Ltmp0, $4  }
0x9: {  	s4 =	sadd.s32 $0x400, s4;
	_ =	strace $0x80000047;
	s7 =	ssub.s32 $0x2, s5  }
0xa: {  	s9 =	sshll.u32 s3, $0x8;
	s5 =	sshll.u32 s5, $0x7;
	s8 =	sshrl.u32 s7, $0x1  }
0xb: {  	s5 =	sor.u32 s5, s9;
	s9 =	simm.s32 $0x3;
	s8 =	ssub.s32 s7, s8  }
0xc: {  	s6 =	sadd.s32 s6, s5;
	s7 =	sadd.s32 $0x8000, s1;
	s8 =	smax.u32 s8, $0x1  }
.LBB2_40:
0xd: {  	s17 =	sadd.s32 $0x1, s17  }
0xe: {  	_ =	swait.ge [sflag:s15], $0x2000;
	p0 =	sne.s32 s17, s8  }
.Ltmp1:
0xf: {  	[sflag:s15] =	ssyncset.done $0x0;
	(pc) =	sbr.rel @!p0 .LBB2_41-.Ltmp1, $4  }
0x10: {  	[sflag:s15] =	ssyncadd.s32 $0xFFFFE000  }
0x11: {  	_ =	swait.ge [sflag:s16], $0x2000  }
0x12: {  	[sflag:s16] =	ssyncset.done $0x0  }
0x13: {  	[sflag:s16] =	ssyncadd.s32 $0xFFFFE000  }
.LBB2_1:
0x14: {  	[tilespmem:s2], [sflag:$0x3] =	stream.linear.gather [hbm4b:s4+s2], $0x1980, $0x38;
	[tilespmem:$0x5D80] =	vst v63  }
0x15: {  	_ =	swait.ge [sflag:s9], $0x1980  }
0x16: {  	[sflag:s9] =	ssyncset.done $0x0  }
0x17: {  	s18 =	simm.s32 $0x0;
	[sflag:s9] =	ssyncadd.s32 $0xFFFFE680  }
.LBB2_2:
0x18: {  	s19 =	sand.u32 $0x3, s18  }
0x19: {  	p0 =	seq.s32 s19, $0x0  }
.Ltmp2:
0x1a: {  	_ = 	snop;
	(pc) =	sbr.rel @p0 .LBB2_5-.Ltmp2, $1  }
0x1b: {  	_ =	sdelay $0x3  }
.Ltmp3:
0x1c: {  	(pc) =	sbr.rel .LBB2_4-.Ltmp3, $2  }
0x1d: {  	_ =	sdelay $0x2  }
0x1e: {  	s19 =	sshll.u32 s19, $0x8  }
.LBB2_5:
0x1f: {  	s19 =	sshll.u32 s18, $0xA;
	p0 =	seq.s32 s18, $0x0  }
.Ltmp4:
0x20: {  	s20 =	sadd.s32 s19, s6;
	s19 =	simm.s32 $0x0;
	(pc) =	sbr.rel @p0 .LBB2_6-.Ltmp4, $4  }
0x21: {  	[tilespmem:s10], [sflag:$0x3] =	stream.linear.gather [hbm4b:s20+s19], $0x400, $0x38;
	[tilespmem:$0x5D80] =	vst v63  }
0x22: {  	_ =	swait.ge [sflag:s9], $0x400  }
0x23: {  	[sflag:s9] =	ssyncset.done $0x0  }
0x24: {  	[sflag:s9] =	ssyncadd.s32 $0xFFFFFC00  }
.LBB2_4:
0x25: {  	_ =	swait.ge [sflag:s15], $0x2000  }
0x26: {  	[sflag:s15] =	ssyncset.done $0x0  }
0x27: {  	p0 =	por $0x0, $0x0;
	[sflag:s15] =	ssyncadd.s32 $0xFFFFE000  }
.LBB2_7:
0x28: {  	v0 =	vld [tilespmem:s19+$0x1980];
	_ =	sdelay $0x4  }
0x29: {  	v0 =	vmul.u32 $0x41, v0  }
0x2a: {  	s20 =	simm.s32 $0x7  }
0x2b: {  	s21 =	simm.s32 $0x1;
	v1 =	vadd.s32 s20, v0  }
0x2c: {  	s30 =	simm.s32 $0x2;
	v2 =	vadd.s32 s21, v0  }
0x2d: {  	s31 =	simm.s32 $0x3;
	v3 =	vadd.s32 s30, v0  }
0x2e: {  	s23 =	simm.s32 $0x6;
	v4 =	vadd.s32 s31, v0  }
0x2f: {  	s21 =	simm.s32 $0x4;
	v7 =	vadd.s32 s23, v0  }
0x30: {  	s22 =	simm.s32 $0x5;
	v5 =	vadd.s32 s21, v0;
	v1 =	vld.idx.msk [tilespmem:v1+s2+$0x0], $0xffff  }
0x31: {  	s25 =	simm.s32 $0xF;
	v6 =	vadd.s32 s22, v0;
	v2 =	vld.idx.msk [tilespmem:v2+s2+$0x0], $0xffff  }
0x32: {  	s24 =	simm.s32 $0x0;
	v11 =	vadd.s32 s25, v0;
	v9 =	vld.idx.msk [tilespmem:v3+s2+$0x0], $0xffff  }
0x33: {  	s28 =	simm.s32 $0xA;
	v8 =	vadd.s32 s24, v0;
	v12 =	vld.idx.msk [tilespmem:v4+s2+$0x0], $0xffff  }
0x34: {  	s26 =	simm.s32 $0x9;
	v15 =	vadd.s32 s28, v0;
	v4 =	vld.idx.msk [tilespmem:v7+s2+$0x0], $0xffff  }
0x35: {  	s29 =	simm.s32 $0xB;
	v13 =	vadd.s32 s26, v0;
	s20 =	simm.s32 $0x1F80;
	v14 =	vld.idx.msk [tilespmem:v5+s2+$0x0], $0xffff  }
0x36: {  	v10 =	vadd.s32 s29, v0;
	s30 =	simm.s32 $0xC;
	v5 =	vld.idx.msk [tilespmem:v6+s2+$0x0], $0xffff;
	[tilespmem:s20+$0x180] =	vst v1  }
0x37: {  	s22 =	simm.s32 $0xD;
	[tilespmem:s20+$0xFFFFFE80] =	vst v2;
	v1 =	vld.idx.msk [tilespmem:v11+s2+$0x0], $0xffff;
	v11 =	vadd.s32 s30, v0  }
0x38: {  	s31 =	simm.s32 $0xE;
	v3 =	vld.idx.msk [tilespmem:v8+s2+$0x0], $0xffff;
	v8 =	vadd.s32 s22, v0;
	[tilespmem:s20+$0xFFFFFF00] =	vst v9  }
0x39: {  	s24 =	simm.s32 $0x8;
	v6 =	vld.idx.msk [tilespmem:v15+s2+$0x0], $0xffff;
	[tilespmem:s20+$0xFFFFFF80] =	vst v12;
	v9 =	vadd.s32 s31, v0  }
0x3a: {  	s23 =	simm.s32 $0x17;
	s21 =	simm.s32 $0x10;
	s22 =	simm.s32 $0x18;
	v7 =	vadd.s32 s24, v0;
	v2 =	vld.idx.msk [tilespmem:v13+s2+$0x0], $0xffff;
	[tilespmem:s20+$0x0] =	vst v14  }
.LBB2_8:
0x3b: {  	p1 =	slt.u32 s22, $0x38;
	s24 =	sadd.s32 $0x1, s21;
	v12 =	vadd.s32 s23, v0;
	v13 =	vld.idx.msk [tilespmem:v10+s2+$0x0], $0xffff;
	[tilespmem:s20+$0x80] =	vst v5  }
0x3c: {  	s23 =	sadd.s32 $0x2, s21;
	v14 =	vadd.s32 s24, v0;
	v15 =	vld.idx.msk [tilespmem:v11+s2+$0x0], $0xffff;
	[tilespmem:s20+$0x100] =	vst v4  }
0x3d: {  	v16 =	vadd.s32 s23, v0;
	s23 =	sadd.s32 $0x3, s21;
	v5 =	vld.idx.msk [tilespmem:v8+s2+$0x0], $0xffff;
	[tilespmem:s20+$0xFFFFFE00] =	vst v3;
	s20 =	sadd.s32 $0x400, s20  }
.Ltmp5:
0x3e: {  	v10 =	vadd.s32 s23, v0;
	s23 =	sadd.s32 $0x4, s21;
	v4 =	vld.idx.msk [tilespmem:v9+s2+$0x0], $0xffff;
	[tilespmem:s20+$0x180] =	vst v1;
	(pc) =	sbr.rel @p1 .LBB2_8-.Ltmp5, $4  }
0x3f: {  	v11 =	vadd.s32 s23, v0;
	s23 =	sadd.s32 $0x5, s21;
	v3 =	vld.idx.msk [tilespmem:v7+s2+$0x0], $0xffff;
	[tilespmem:s20+$0xFFFFFE80] =	vst v2  }
0x40: {  	v8 =	vadd.s32 s23, v0;
	s23 =	sadd.s32 $0x6, s21;
	v1 =	vld.idx.msk [tilespmem:v12+s2+$0x0], $0xffff;
	[tilespmem:s20+$0xFFFFFF00] =	vst v6  }
0x41: {  	v9 =	vadd.s32 s23, v0;
	v2 =	vld.idx.msk [tilespmem:v14+s2+$0x0], $0xffff;
	[tilespmem:s20+$0xFFFFFF80] =	vst v13  }
0x42: {  	v7 =	vadd.s32 s21, v0;
	s21 =	smov.u32 s22;
	s23 =	sadd.s32 $0x7, s22;
	s22 =	sadd.s32 $0x8, s22;
	v6 =	vld.idx.msk [tilespmem:v16+s2+$0x0], $0xffff;
	[tilespmem:s20+$0x0] =	vst v15  }
0x43: {  	_ =	sdelay $0x2  }
0x44: {  	[tilespmem:s20+$0x80] =	vst v5  }
0x45: {  	s22 =	sadd.s32 $0x1, s21;
	v5 =	vadd.s32 s23, v0;
	v10 =	vld.idx.msk [tilespmem:v10+s2+$0x0], $0xffff;
	[tilespmem:s20+$0x100] =	vst v4  }
0x46: {  	s29 =	sadd.s32 $0x2, s21;
	v11 =	vld.idx.msk [tilespmem:v11+s2+$0x0], $0xffff;
	s30 =	sadd.s32 $0x400, s20;
	v4 =	vadd.s32 s22, v0;
	[tilespmem:s20+$0xFFFFFE00] =	vst v3  }
0x47: {  	s31 =	sadd.s32 $0x3, s21;
	v8 =	vld.idx.msk [tilespmem:v8+s2+$0x0], $0xffff;
	v3 =	vadd.s32 s29, v0;
	[tilespmem:s30+$0x180] =	vst v1  }
0x48: {  	s23 =	sadd.s32 $0x4, s21;
	v9 =	vld.idx.msk [tilespmem:v9+s2+$0x0], $0xffff;
	v1 =	vadd.s32 s31, v0;
	[tilespmem:s30+$0xFFFFFE80] =	vst v2  }
0x49: {  	s24 =	sadd.s32 $0x5, s21;
	v7 =	vld.idx.msk [tilespmem:v7+s2+$0x0], $0xffff;
	v2 =	vadd.s32 s23, v0;
	[tilespmem:s30+$0xFFFFFF00] =	vst v6  }
0x4a: {  	s25 =	sadd.s32 $0x6, s21;
	v6 =	vadd.s32 s24, v0;
	v5 =	vld.idx.msk [tilespmem:v5+s2+$0x0], $0xffff;
	[tilespmem:s30+$0xFFFFFF80] =	vst v10  }
0x4b: {  	v10 =	vadd.s32 s25, v0;
	[tilespmem:s30+$0x0] =	vst v11;
	v4 =	vld.idx.msk [tilespmem:v4+s2+$0x0], $0xffff  }
0x4c: {  	v0 =	vadd.s32 s21, v0;
	[tilespmem:s30+$0x80] =	vst v8;
	v3 =	vld.idx.msk [tilespmem:v3+s2+$0x0], $0xffff  }
0x4d: {  	[tilespmem:s30+$0x100] =	vst v9;
	v1 =	vld.idx.msk [tilespmem:v1+s2+$0x0], $0xffff  }
0x4e: {  	s20 =	sadd.s32 $0x400, s30;
	[tilespmem:s30+$0xFFFFFE00] =	vst v7;
	v2 =	vld.idx.msk [tilespmem:v2+s2+$0x0], $0xffff  }
0x4f: {  	v6 =	vld.idx.msk [tilespmem:v6+s2+$0x0], $0xffff;
	[tilespmem:s20+$0x180] =	vst v5  }
0x50: {  	v5 =	vld.idx.msk [tilespmem:v10+s2+$0x0], $0xffff;
	[tilespmem:s20+$0xFFFFFE80] =	vst v4  }
0x51: {  	v0 =	vld.idx.msk [tilespmem:v0+s2+$0x0], $0xffff;
	[tilespmem:s20+$0xFFFFFF00] =	vst v3  }
0x52: {  	[tilespmem:s20+$0xFFFFFF80] =	vst v1  }
0x53: {  	[tilespmem:s20+$0x0] =	vst v2  }
0x54: {  	[tilespmem:s20+$0x80] =	vst v6  }
0x55: {  	[tilespmem:s20+$0x100] =	vst v5  }
0x56: {  	[tilespmem:s20+$0xFFFFFE00] =	vst v0  }
0x57: {  	v0 =	vld [tilespmem:s19+$0x1990];
	_ =	sdelay $0x4  }
0x58: {  	v0 =	vmul.u32 $0x41, v0  }
0x59: {  	s26 =	simm.s32 $0x7  }
0x5a: {  	s28 =	simm.s32 $0x1;
	v1 =	vadd.s32 s26, v0  }
0x5b: {  	s29 =	simm.s32 $0x2;
	v2 =	vadd.s32 s28, v0  }
0x5c: {  	s30 =	simm.s32 $0x3;
	v3 =	vadd.s32 s29, v0  }
0x5d: {  	s31 =	simm.s32 $0x4;
	v4 =	vadd.s32 s30, v0  }
0x5e: {  	s21 =	simm.s32 $0x5;
	v5 =	vadd.s32 s31, v0  }
0x5f: {  	s22 =	simm.s32 $0x6;
	v6 =	vadd.s32 s21, v0;
	v1 =	vld.idx.msk [tilespmem:v1+s2+$0x0], $0xffff  }
0x60: {  	s24 =	simm.s32 $0xF;
	v7 =	vadd.s32 s22, v0;
	v2 =	vld.idx.msk [tilespmem:v2+s2+$0x0], $0xffff  }
0x61: {  	s23 =	simm.s32 $0x0;
	v11 =	vadd.s32 s24, v0;
	v9 =	vld.idx.msk [tilespmem:v3+s2+$0x0], $0xffff  }
0x62: {  	v8 =	vadd.s32 s23, v0;
	s26 =	simm.s32 $0xA;
	v12 =	vld.idx.msk [tilespmem:v4+s2+$0x0], $0xffff  }
0x63: {  	s25 =	simm.s32 $0x9;
	v15 =	vadd.s32 s26, v0;
	v14 =	vld.idx.msk [tilespmem:v5+s2+$0x0], $0xffff  }
0x64: {  	s20 =	simm.s32 $0x1F90;
	v13 =	vadd.s32 s25, v0;
	s28 =	simm.s32 $0xB;
	v5 =	vld.idx.msk [tilespmem:v6+s2+$0x0], $0xffff  }
0x65: {  	s29 =	simm.s32 $0xC;
	v10 =	vadd.s32 s28, v0;
	v4 =	vld.idx.msk [tilespmem:v7+s2+$0x0], $0xffff;
	[tilespmem:s20+$0x180] =	vst v1  }
0x66: {  	s30 =	simm.s32 $0xD;
	[tilespmem:s20+$0xFFFFFE80] =	vst v2;
	v1 =	vld.idx.msk [tilespmem:v11+s2+$0x0], $0xffff;
	v11 =	vadd.s32 s29, v0  }
0x67: {  	s31 =	simm.s32 $0xE;
	v3 =	vld.idx.msk [tilespmem:v8+s2+$0x0], $0xffff;
	v8 =	vadd.s32 s30, v0;
	[tilespmem:s20+$0xFFFFFF00] =	vst v9  }
0x68: {  	s24 =	simm.s32 $0x8;
	v6 =	vld.idx.msk [tilespmem:v15+s2+$0x0], $0xffff;
	[tilespmem:s20+$0xFFFFFF80] =	vst v12;
	v9 =	vadd.s32 s31, v0  }
0x69: {  	s21 =	simm.s32 $0x10;
	s23 =	simm.s32 $0x17;
	s22 =	simm.s32 $0x18;
	v7 =	vadd.s32 s24, v0;
	v2 =	vld.idx.msk [tilespmem:v13+s2+$0x0], $0xffff;
	[tilespmem:s20+$0x0] =	vst v14  }
.LBB2_10:
0x6a: {  	p1 =	slt.u32 s22, $0x38;
	s24 =	sadd.s32 $0x1, s21;
	v12 =	vadd.s32 s23, v0;
	v13 =	vld.idx.msk [tilespmem:v10+s2+$0x0], $0xffff;
	[tilespmem:s20+$0x80] =	vst v5  }
0x6b: {  	s23 =	sadd.s32 $0x2, s21;
	v14 =	vadd.s32 s24, v0;
	v15 =	vld.idx.msk [tilespmem:v11+s2+$0x0], $0xffff;
	[tilespmem:s20+$0x100] =	vst v4  }
0x6c: {  	v16 =	vadd.s32 s23, v0;
	s23 =	sadd.s32 $0x3, s21;
	v5 =	vld.idx.msk [tilespmem:v8+s2+$0x0], $0xffff;
	[tilespmem:s20+$0xFFFFFE00] =	vst v3;
	s20 =	sadd.s32 $0x400, s20  }
.Ltmp6:
0x6d: {  	v10 =	vadd.s32 s23, v0;
	s23 =	sadd.s32 $0x4, s21;
	v4 =	vld.idx.msk [tilespmem:v9+s2+$0x0], $0xffff;
	[tilespmem:s20+$0x180] =	vst v1;
	(pc) =	sbr.rel @p1 .LBB2_10-.Ltmp6, $4  }
0x6e: {  	v11 =	vadd.s32 s23, v0;
	s23 =	sadd.s32 $0x5, s21;
	v3 =	vld.idx.msk [tilespmem:v7+s2+$0x0], $0xffff;
	[tilespmem:s20+$0xFFFFFE80] =	vst v2  }
0x6f: {  	v8 =	vadd.s32 s23, v0;
	s23 =	sadd.s32 $0x6, s21;
	v1 =	vld.idx.msk [tilespmem:v12+s2+$0x0], $0xffff;
	[tilespmem:s20+$0xFFFFFF00] =	vst v6  }
0x70: {  	v9 =	vadd.s32 s23, v0;
	v2 =	vld.idx.msk [tilespmem:v14+s2+$0x0], $0xffff;
	[tilespmem:s20+$0xFFFFFF80] =	vst v13  }
0x71: {  	v7 =	vadd.s32 s21, v0;
	s21 =	smov.u32 s22;
	s23 =	sadd.s32 $0x7, s22;
	s22 =	sadd.s32 $0x8, s22;
	v6 =	vld.idx.msk [tilespmem:v16+s2+$0x0], $0xffff;
	[tilespmem:s20+$0x0] =	vst v15  }
0x72: {  	_ =	sdelay $0x2  }
0x73: {  	[tilespmem:s20+$0x80] =	vst v5  }
0x74: {  	s22 =	sadd.s32 $0x1, s21;
	v5 =	vadd.s32 s23, v0;
	v10 =	vld.idx.msk [tilespmem:v10+s2+$0x0], $0xffff;
	[tilespmem:s20+$0x100] =	vst v4  }
0x75: {  	s29 =	sadd.s32 $0x2, s21;
	v11 =	vld.idx.msk [tilespmem:v11+s2+$0x0], $0xffff;
	s30 =	sadd.s32 $0x400, s20;
	v4 =	vadd.s32 s22, v0;
	[tilespmem:s20+$0xFFFFFE00] =	vst v3  }
0x76: {  	s31 =	sadd.s32 $0x3, s21;
	v8 =	vld.idx.msk [tilespmem:v8+s2+$0x0], $0xffff;
	v3 =	vadd.s32 s29, v0;
	[tilespmem:s30+$0x180] =	vst v1  }
0x77: {  	s23 =	sadd.s32 $0x4, s21;
	v9 =	vld.idx.msk [tilespmem:v9+s2+$0x0], $0xffff;
	v1 =	vadd.s32 s31, v0;
	[tilespmem:s30+$0xFFFFFE80] =	vst v2  }
0x78: {  	s24 =	sadd.s32 $0x5, s21;
	v7 =	vld.idx.msk [tilespmem:v7+s2+$0x0], $0xffff;
	v2 =	vadd.s32 s23, v0;
	[tilespmem:s30+$0xFFFFFF00] =	vst v6  }
0x79: {  	s25 =	sadd.s32 $0x6, s21;
	v6 =	vadd.s32 s24, v0;
	v5 =	vld.idx.msk [tilespmem:v5+s2+$0x0], $0xffff;
	[tilespmem:s30+$0xFFFFFF80] =	vst v10  }
0x7a: {  	v10 =	vadd.s32 s25, v0;
	[tilespmem:s30+$0x0] =	vst v11;
	v4 =	vld.idx.msk [tilespmem:v4+s2+$0x0], $0xffff  }
0x7b: {  	v0 =	vadd.s32 s21, v0;
	[tilespmem:s30+$0x80] =	vst v8;
	v3 =	vld.idx.msk [tilespmem:v3+s2+$0x0], $0xffff  }
0x7c: {  	[tilespmem:s30+$0x100] =	vst v9;
	v1 =	vld.idx.msk [tilespmem:v1+s2+$0x0], $0xffff  }
0x7d: {  	s20 =	sadd.s32 $0x400, s30;
	[tilespmem:s30+$0xFFFFFE00] =	vst v7;
	v2 =	vld.idx.msk [tilespmem:v2+s2+$0x0], $0xffff  }
0x7e: {  	v6 =	vld.idx.msk [tilespmem:v6+s2+$0x0], $0xffff;
	[tilespmem:s20+$0x180] =	vst v5  }
0x7f: {  	v5 =	vld.idx.msk [tilespmem:v10+s2+$0x0], $0xffff;
	[tilespmem:s20+$0xFFFFFE80] =	vst v4  }
0x80: {  	v0 =	vld.idx.msk [tilespmem:v0+s2+$0x0], $0xffff;
	[tilespmem:s20+$0xFFFFFF00] =	vst v3  }
0x81: {  	[tilespmem:s20+$0xFFFFFF80] =	vst v1  }
0x82: {  	[tilespmem:s20+$0x0] =	vst v2  }
0x83: {  	[tilespmem:s20+$0x80] =	vst v6  }
0x84: {  	[tilespmem:s20+$0x100] =	vst v5  }
0x85: {  	[tilespmem:s20+$0xFFFFFE00] =	vst v0  }
0x86: {  	v0 =	vld [tilespmem:s19+$0x19A0];
	_ =	sdelay $0x4  }
0x87: {  	v0 =	vmul.u32 $0x41, v0  }
0x88: {  	s26 =	simm.s32 $0x7  }
0x89: {  	s28 =	simm.s32 $0x1;
	v1 =	vadd.s32 s26, v0  }
0x8a: {  	s29 =	simm.s32 $0x2;
	v2 =	vadd.s32 s28, v0  }
0x8b: {  	s30 =	simm.s32 $0x3;
	v3 =	vadd.s32 s29, v0  }
0x8c: {  	s31 =	simm.s32 $0x4;
	v4 =	vadd.s32 s30, v0  }
0x8d: {  	s21 =	simm.s32 $0x5;
	v5 =	vadd.s32 s31, v0  }
0x8e: {  	s22 =	simm.s32 $0x6;
	v6 =	vadd.s32 s21, v0;
	v1 =	vld.idx.msk [tilespmem:v1+s2+$0x0], $0xffff  }
0x8f: {  	s24 =	simm.s32 $0xF;
	v7 =	vadd.s32 s22, v0;
	v2 =	vld.idx.msk [tilespmem:v2+s2+$0x0], $0xffff  }
0x90: {  	s23 =	simm.s32 $0x0;
	v11 =	vadd.s32 s24, v0;
	v9 =	vld.idx.msk [tilespmem:v3+s2+$0x0], $0xffff  }
0x91: {  	v8 =	vadd.s32 s23, v0;
	s26 =	simm.s32 $0xA;
	v12 =	vld.idx.msk [tilespmem:v4+s2+$0x0], $0xffff  }
0x92: {  	s25 =	simm.s32 $0x9;
	v15 =	vadd.s32 s26, v0;
	v14 =	vld.idx.msk [tilespmem:v5+s2+$0x0], $0xffff  }
0x93: {  	s20 =	simm.s32 $0x1FA0;
	v13 =	vadd.s32 s25, v0;
	s28 =	simm.s32 $0xB;
	v5 =	vld.idx.msk [tilespmem:v6+s2+$0x0], $0xffff  }
0x94: {  	s29 =	simm.s32 $0xC;
	v10 =	vadd.s32 s28, v0;
	v4 =	vld.idx.msk [tilespmem:v7+s2+$0x0], $0xffff;
	[tilespmem:s20+$0x180] =	vst v1  }
0x95: {  	s30 =	simm.s32 $0xD;
	[tilespmem:s20+$0xFFFFFE80] =	vst v2;
	v1 =	vld.idx.msk [tilespmem:v11+s2+$0x0], $0xffff;
	v11 =	vadd.s32 s29, v0  }
0x96: {  	s31 =	simm.s32 $0xE;
	v3 =	vld.idx.msk [tilespmem:v8+s2+$0x0], $0xffff;
	v8 =	vadd.s32 s30, v0;
	[tilespmem:s20+$0xFFFFFF00] =	vst v9  }
0x97: {  	s24 =	simm.s32 $0x8;
	v6 =	vld.idx.msk [tilespmem:v15+s2+$0x0], $0xffff;
	[tilespmem:s20+$0xFFFFFF80] =	vst v12;
	v9 =	vadd.s32 s31, v0  }
0x98: {  	s21 =	simm.s32 $0x10;
	s23 =	simm.s32 $0x17;
	s22 =	simm.s32 $0x18;
	v7 =	vadd.s32 s24, v0;
	v2 =	vld.idx.msk [tilespmem:v13+s2+$0x0], $0xffff;
	[tilespmem:s20+$0x0] =	vst v14  }
.LBB2_12:
0x99: {  	p1 =	slt.u32 s22, $0x38;
	s24 =	sadd.s32 $0x1, s21;
	v12 =	vadd.s32 s23, v0;
	v13 =	vld.idx.msk [tilespmem:v10+s2+$0x0], $0xffff;
	[tilespmem:s20+$0x80] =	vst v5  }
0x9a: {  	s23 =	sadd.s32 $0x2, s21;
	v14 =	vadd.s32 s24, v0;
	v15 =	vld.idx.msk [tilespmem:v11+s2+$0x0], $0xffff;
	[tilespmem:s20+$0x100] =	vst v4  }
0x9b: {  	v16 =	vadd.s32 s23, v0;
	s23 =	sadd.s32 $0x3, s21;
	v5 =	vld.idx.msk [tilespmem:v8+s2+$0x0], $0xffff;
	[tilespmem:s20+$0xFFFFFE00] =	vst v3;
	s20 =	sadd.s32 $0x400, s20  }
.Ltmp7:
0x9c: {  	v10 =	vadd.s32 s23, v0;
	s23 =	sadd.s32 $0x4, s21;
	v4 =	vld.idx.msk [tilespmem:v9+s2+$0x0], $0xffff;
	[tilespmem:s20+$0x180] =	vst v1;
	(pc) =	sbr.rel @p1 .LBB2_12-.Ltmp7, $4  }
0x9d: {  	v11 =	vadd.s32 s23, v0;
	s23 =	sadd.s32 $0x5, s21;
	v3 =	vld.idx.msk [tilespmem:v7+s2+$0x0], $0xffff;
	[tilespmem:s20+$0xFFFFFE80] =	vst v2  }
0x9e: {  	v8 =	vadd.s32 s23, v0;
	s23 =	sadd.s32 $0x6, s21;
	v1 =	vld.idx.msk [tilespmem:v12+s2+$0x0], $0xffff;
	[tilespmem:s20+$0xFFFFFF00] =	vst v6  }
0x9f: {  	v9 =	vadd.s32 s23, v0;
	v2 =	vld.idx.msk [tilespmem:v14+s2+$0x0], $0xffff;
	[tilespmem:s20+$0xFFFFFF80] =	vst v13  }
0xa0: {  	v7 =	vadd.s32 s21, v0;
	s21 =	smov.u32 s22;
	s23 =	sadd.s32 $0x7, s22;
	s22 =	sadd.s32 $0x8, s22;
	v6 =	vld.idx.msk [tilespmem:v16+s2+$0x0], $0xffff;
	[tilespmem:s20+$0x0] =	vst v15  }
0xa1: {  	_ =	sdelay $0x2  }
0xa2: {  	[tilespmem:s20+$0x80] =	vst v5  }
0xa3: {  	s22 =	sadd.s32 $0x1, s21;
	v5 =	vadd.s32 s23, v0;
	v10 =	vld.idx.msk [tilespmem:v10+s2+$0x0], $0xffff;
	[tilespmem:s20+$0x100] =	vst v4  }
0xa4: {  	s29 =	sadd.s32 $0x2, s21;
	v11 =	vld.idx.msk [tilespmem:v11+s2+$0x0], $0xffff;
	s30 =	sadd.s32 $0x400, s20;
	v4 =	vadd.s32 s22, v0;
	[tilespmem:s20+$0xFFFFFE00] =	vst v3  }
0xa5: {  	s31 =	sadd.s32 $0x3, s21;
	v8 =	vld.idx.msk [tilespmem:v8+s2+$0x0], $0xffff;
	v3 =	vadd.s32 s29, v0;
	[tilespmem:s30+$0x180] =	vst v1  }
0xa6: {  	s23 =	sadd.s32 $0x4, s21;
	v9 =	vld.idx.msk [tilespmem:v9+s2+$0x0], $0xffff;
	v1 =	vadd.s32 s31, v0;
	[tilespmem:s30+$0xFFFFFE80] =	vst v2  }
0xa7: {  	s24 =	sadd.s32 $0x5, s21;
	v7 =	vld.idx.msk [tilespmem:v7+s2+$0x0], $0xffff;
	v2 =	vadd.s32 s23, v0;
	[tilespmem:s30+$0xFFFFFF00] =	vst v6  }
0xa8: {  	s25 =	sadd.s32 $0x6, s21;
	v6 =	vadd.s32 s24, v0;
	v5 =	vld.idx.msk [tilespmem:v5+s2+$0x0], $0xffff;
	[tilespmem:s30+$0xFFFFFF80] =	vst v10  }
0xa9: {  	v10 =	vadd.s32 s25, v0;
	[tilespmem:s30+$0x0] =	vst v11;
	v4 =	vld.idx.msk [tilespmem:v4+s2+$0x0], $0xffff  }
0xaa: {  	v0 =	vadd.s32 s21, v0;
	[tilespmem:s30+$0x80] =	vst v8;
	v3 =	vld.idx.msk [tilespmem:v3+s2+$0x0], $0xffff  }
0xab: {  	[tilespmem:s30+$0x100] =	vst v9;
	v1 =	vld.idx.msk [tilespmem:v1+s2+$0x0], $0xffff  }
0xac: {  	s20 =	sadd.s32 $0x400, s30;
	[tilespmem:s30+$0xFFFFFE00] =	vst v7;
	v2 =	vld.idx.msk [tilespmem:v2+s2+$0x0], $0xffff  }
0xad: {  	v6 =	vld.idx.msk [tilespmem:v6+s2+$0x0], $0xffff;
	[tilespmem:s20+$0x180] =	vst v5  }
0xae: {  	v5 =	vld.idx.msk [tilespmem:v10+s2+$0x0], $0xffff;
	[tilespmem:s20+$0xFFFFFE80] =	vst v4  }
0xaf: {  	v0 =	vld.idx.msk [tilespmem:v0+s2+$0x0], $0xffff;
	[tilespmem:s20+$0xFFFFFF00] =	vst v3  }
0xb0: {  	[tilespmem:s20+$0xFFFFFF80] =	vst v1  }
0xb1: {  	[tilespmem:s20+$0x0] =	vst v2  }
0xb2: {  	[tilespmem:s20+$0x80] =	vst v6  }
0xb3: {  	[tilespmem:s20+$0x100] =	vst v5  }
0xb4: {  	[tilespmem:s20+$0xFFFFFE00] =	vst v0  }
0xb5: {  	v0 =	vld [tilespmem:s19+$0x19B0];
	_ =	sdelay $0x4  }
0xb6: {  	v0 =	vmul.u32 $0x41, v0  }
0xb7: {  	s26 =	simm.s32 $0x7  }
0xb8: {  	s28 =	simm.s32 $0x1;
	v1 =	vadd.s32 s26, v0  }
0xb9: {  	s29 =	simm.s32 $0x2;
	v2 =	vadd.s32 s28, v0  }
0xba: {  	s30 =	simm.s32 $0x3;
	v3 =	vadd.s32 s29, v0  }
0xbb: {  	s31 =	simm.s32 $0x4;
	v4 =	vadd.s32 s30, v0  }
0xbc: {  	s21 =	simm.s32 $0x5;
	v5 =	vadd.s32 s31, v0  }
0xbd: {  	s22 =	simm.s32 $0x6;
	v6 =	vadd.s32 s21, v0;
	v1 =	vld.idx.msk [tilespmem:v1+s2+$0x0], $0xffff  }
0xbe: {  	s24 =	simm.s32 $0xF;
	v7 =	vadd.s32 s22, v0;
	v2 =	vld.idx.msk [tilespmem:v2+s2+$0x0], $0xffff  }
0xbf: {  	s23 =	simm.s32 $0x0;
	v11 =	vadd.s32 s24, v0;
	v9 =	vld.idx.msk [tilespmem:v3+s2+$0x0], $0xffff  }
0xc0: {  	v8 =	vadd.s32 s23, v0;
	s26 =	simm.s32 $0xA;
	v12 =	vld.idx.msk [tilespmem:v4+s2+$0x0], $0xffff  }
0xc1: {  	s25 =	simm.s32 $0x9;
	v15 =	vadd.s32 s26, v0;
	v14 =	vld.idx.msk [tilespmem:v5+s2+$0x0], $0xffff  }
0xc2: {  	s20 =	simm.s32 $0x1FB0;
	v13 =	vadd.s32 s25, v0;
	s28 =	simm.s32 $0xB;
	v5 =	vld.idx.msk [tilespmem:v6+s2+$0x0], $0xffff  }
0xc3: {  	s29 =	simm.s32 $0xC;
	v10 =	vadd.s32 s28, v0;
	v4 =	vld.idx.msk [tilespmem:v7+s2+$0x0], $0xffff;
	[tilespmem:s20+$0x180] =	vst v1  }
0xc4: {  	s30 =	simm.s32 $0xD;
	[tilespmem:s20+$0xFFFFFE80] =	vst v2;
	v1 =	vld.idx.msk [tilespmem:v11+s2+$0x0], $0xffff;
	v11 =	vadd.s32 s29, v0  }
0xc5: {  	s31 =	simm.s32 $0xE;
	v3 =	vld.idx.msk [tilespmem:v8+s2+$0x0], $0xffff;
	v8 =	vadd.s32 s30, v0;
	[tilespmem:s20+$0xFFFFFF00] =	vst v9  }
0xc6: {  	s24 =	simm.s32 $0x8;
	v6 =	vld.idx.msk [tilespmem:v15+s2+$0x0], $0xffff;
	[tilespmem:s20+$0xFFFFFF80] =	vst v12;
	v9 =	vadd.s32 s31, v0  }
0xc7: {  	s21 =	simm.s32 $0x10;
	s23 =	simm.s32 $0x17;
	s22 =	simm.s32 $0x18;
	v7 =	vadd.s32 s24, v0;
	v2 =	vld.idx.msk [tilespmem:v13+s2+$0x0], $0xffff;
	[tilespmem:s20+$0x0] =	vst v14  }
.LBB2_14:
0xc8: {  	p1 =	slt.u32 s22, $0x38;
	s24 =	sadd.s32 $0x1, s21;
	v12 =	vadd.s32 s23, v0;
	v13 =	vld.idx.msk [tilespmem:v10+s2+$0x0], $0xffff;
	[tilespmem:s20+$0x80] =	vst v5  }
0xc9: {  	s23 =	sadd.s32 $0x2, s21;
	v14 =	vadd.s32 s24, v0;
	v15 =	vld.idx.msk [tilespmem:v11+s2+$0x0], $0xffff;
	[tilespmem:s20+$0x100] =	vst v4  }
0xca: {  	v16 =	vadd.s32 s23, v0;
	s23 =	sadd.s32 $0x3, s21;
	v5 =	vld.idx.msk [tilespmem:v8+s2+$0x0], $0xffff;
	[tilespmem:s20+$0xFFFFFE00] =	vst v3;
	s20 =	sadd.s32 $0x400, s20  }
.Ltmp8:
0xcb: {  	v10 =	vadd.s32 s23, v0;
	s23 =	sadd.s32 $0x4, s21;
	v4 =	vld.idx.msk [tilespmem:v9+s2+$0x0], $0xffff;
	[tilespmem:s20+$0x180] =	vst v1;
	(pc) =	sbr.rel @p1 .LBB2_14-.Ltmp8, $4  }
0xcc: {  	v11 =	vadd.s32 s23, v0;
	s23 =	sadd.s32 $0x5, s21;
	v3 =	vld.idx.msk [tilespmem:v7+s2+$0x0], $0xffff;
	[tilespmem:s20+$0xFFFFFE80] =	vst v2  }
0xcd: {  	v8 =	vadd.s32 s23, v0;
	s23 =	sadd.s32 $0x6, s21;
	v1 =	vld.idx.msk [tilespmem:v12+s2+$0x0], $0xffff;
	[tilespmem:s20+$0xFFFFFF00] =	vst v6  }
0xce: {  	v9 =	vadd.s32 s23, v0;
	v2 =	vld.idx.msk [tilespmem:v14+s2+$0x0], $0xffff;
	[tilespmem:s20+$0xFFFFFF80] =	vst v13  }
0xcf: {  	v7 =	vadd.s32 s21, v0;
	s21 =	smov.u32 s22;
	s23 =	sadd.s32 $0x7, s22;
	s22 =	sadd.s32 $0x8, s22;
	v6 =	vld.idx.msk [tilespmem:v16+s2+$0x0], $0xffff;
	[tilespmem:s20+$0x0] =	vst v15  }
0xd0: {  	_ =	sdelay $0x2  }
0xd1: {  	[tilespmem:s20+$0x80] =	vst v5  }
0xd2: {  	s22 =	sadd.s32 $0x1, s21;
	v5 =	vadd.s32 s23, v0;
	v10 =	vld.idx.msk [tilespmem:v10+s2+$0x0], $0xffff;
	[tilespmem:s20+$0x100] =	vst v4  }
0xd3: {  	s29 =	sadd.s32 $0x2, s21;
	v11 =	vld.idx.msk [tilespmem:v11+s2+$0x0], $0xffff;
	s30 =	sadd.s32 $0x400, s20;
	v4 =	vadd.s32 s22, v0;
	[tilespmem:s20+$0xFFFFFE00] =	vst v3  }
0xd4: {  	s31 =	sadd.s32 $0x3, s21;
	v8 =	vld.idx.msk [tilespmem:v8+s2+$0x0], $0xffff;
	v3 =	vadd.s32 s29, v0;
	[tilespmem:s30+$0x180] =	vst v1  }
0xd5: {  	s23 =	sadd.s32 $0x4, s21;
	v9 =	vld.idx.msk [tilespmem:v9+s2+$0x0], $0xffff;
	v1 =	vadd.s32 s31, v0;
	[tilespmem:s30+$0xFFFFFE80] =	vst v2  }
0xd6: {  	s24 =	sadd.s32 $0x5, s21;
	v7 =	vld.idx.msk [tilespmem:v7+s2+$0x0], $0xffff;
	v2 =	vadd.s32 s23, v0;
	[tilespmem:s30+$0xFFFFFF00] =	vst v6  }
0xd7: {  	s25 =	sadd.s32 $0x6, s21;
	v6 =	vadd.s32 s24, v0;
	v5 =	vld.idx.msk [tilespmem:v5+s2+$0x0], $0xffff;
	[tilespmem:s30+$0xFFFFFF80] =	vst v10  }
0xd8: {  	v10 =	vadd.s32 s25, v0;
	[tilespmem:s30+$0x0] =	vst v11;
	v4 =	vld.idx.msk [tilespmem:v4+s2+$0x0], $0xffff  }
0xd9: {  	v0 =	vadd.s32 s21, v0;
	[tilespmem:s30+$0x80] =	vst v8;
	v3 =	vld.idx.msk [tilespmem:v3+s2+$0x0], $0xffff  }
0xda: {  	[tilespmem:s30+$0x100] =	vst v9;
	v1 =	vld.idx.msk [tilespmem:v1+s2+$0x0], $0xffff  }
0xdb: {  	s20 =	sadd.s32 $0x400, s30;
	[tilespmem:s30+$0xFFFFFE00] =	vst v7;
	v2 =	vld.idx.msk [tilespmem:v2+s2+$0x0], $0xffff  }
0xdc: {  	v6 =	vld.idx.msk [tilespmem:v6+s2+$0x0], $0xffff;
	[tilespmem:s20+$0x180] =	vst v5  }
0xdd: {  	v5 =	vld.idx.msk [tilespmem:v10+s2+$0x0], $0xffff;
	[tilespmem:s20+$0xFFFFFE80] =	vst v4  }
0xde: {  	v0 =	vld.idx.msk [tilespmem:v0+s2+$0x0], $0xffff;
	[tilespmem:s20+$0xFFFFFF00] =	vst v3  }
0xdf: {  	[tilespmem:s20+$0xFFFFFF80] =	vst v1  }
0xe0: {  	[tilespmem:s20+$0x0] =	vst v2  }
0xe1: {  	[tilespmem:s20+$0x80] =	vst v6  }
0xe2: {  	[tilespmem:s20+$0x100] =	vst v5  }
0xe3: {  	[tilespmem:s20+$0xFFFFFE00] =	vst v0  }
0xe4: {  	v0 =	vld [tilespmem:s19+$0x19C0];
	_ =	sdelay $0x4  }
0xe5: {  	v0 =	vmul.u32 $0x41, v0  }
0xe6: {  	s26 =	simm.s32 $0x7  }
0xe7: {  	s28 =	simm.s32 $0x1;
	v1 =	vadd.s32 s26, v0  }
0xe8: {  	s29 =	simm.s32 $0x2;
	v2 =	vadd.s32 s28, v0  }
0xe9: {  	s30 =	simm.s32 $0x3;
	v3 =	vadd.s32 s29, v0  }
0xea: {  	s31 =	simm.s32 $0x4;
	v4 =	vadd.s32 s30, v0  }
0xeb: {  	s21 =	simm.s32 $0x5;
	v5 =	vadd.s32 s31, v0  }
0xec: {  	s22 =	simm.s32 $0x6;
	v6 =	vadd.s32 s21, v0;
	v1 =	vld.idx.msk [tilespmem:v1+s2+$0x0], $0xffff  }
0xed: {  	s24 =	simm.s32 $0xF;
	v7 =	vadd.s32 s22, v0;
	v2 =	vld.idx.msk [tilespmem:v2+s2+$0x0], $0xffff  }
0xee: {  	s23 =	simm.s32 $0x0;
	v11 =	vadd.s32 s24, v0;
	v9 =	vld.idx.msk [tilespmem:v3+s2+$0x0], $0xffff  }
0xef: {  	v8 =	vadd.s32 s23, v0;
	s26 =	simm.s32 $0xA;
	v12 =	vld.idx.msk [tilespmem:v4+s2+$0x0], $0xffff  }
0xf0: {  	s25 =	simm.s32 $0x9;
	v15 =	vadd.s32 s26, v0;
	v14 =	vld.idx.msk [tilespmem:v5+s2+$0x0], $0xffff  }
0xf1: {  	s20 =	simm.s32 $0x1FC0;
	v13 =	vadd.s32 s25, v0;
	s28 =	simm.s32 $0xB;
	v5 =	vld.idx.msk [tilespmem:v6+s2+$0x0], $0xffff  }
0xf2: {  	s29 =	simm.s32 $0xC;
	v10 =	vadd.s32 s28, v0;
	v4 =	vld.idx.msk [tilespmem:v7+s2+$0x0], $0xffff;
	[tilespmem:s20+$0x180] =	vst v1  }
0xf3: {  	s30 =	simm.s32 $0xD;
	[tilespmem:s20+$0xFFFFFE80] =	vst v2;
	v1 =	vld.idx.msk [tilespmem:v11+s2+$0x0], $0xffff;
	v11 =	vadd.s32 s29, v0  }
0xf4: {  	s31 =	simm.s32 $0xE;
	v3 =	vld.idx.msk [tilespmem:v8+s2+$0x0], $0xffff;
	v8 =	vadd.s32 s30, v0;
	[tilespmem:s20+$0xFFFFFF00] =	vst v9  }
0xf5: {  	s24 =	simm.s32 $0x8;
	v6 =	vld.idx.msk [tilespmem:v15+s2+$0x0], $0xffff;
	[tilespmem:s20+$0xFFFFFF80] =	vst v12;
	v9 =	vadd.s32 s31, v0  }
0xf6: {  	s21 =	simm.s32 $0x10;
	s23 =	simm.s32 $0x17;
	s22 =	simm.s32 $0x18;
	v7 =	vadd.s32 s24, v0;
	v2 =	vld.idx.msk [tilespmem:v13+s2+$0x0], $0xffff;
	[tilespmem:s20+$0x0] =	vst v14  }
.LBB2_16:
0xf7: {  	p1 =	slt.u32 s22, $0x38;
	s24 =	sadd.s32 $0x1, s21;
	v12 =	vadd.s32 s23, v0;
	v13 =	vld.idx.msk [tilespmem:v10+s2+$0x0], $0xffff;
	[tilespmem:s20+$0x80] =	vst v5  }
0xf8: {  	s23 =	sadd.s32 $0x2, s21;
	v14 =	vadd.s32 s24, v0;
	v15 =	vld.idx.msk [tilespmem:v11+s2+$0x0], $0xffff;
	[tilespmem:s20+$0x100] =	vst v4  }
0xf9: {  	v16 =	vadd.s32 s23, v0;
	s23 =	sadd.s32 $0x3, s21;
	v5 =	vld.idx.msk [tilespmem:v8+s2+$0x0], $0xffff;
	[tilespmem:s20+$0xFFFFFE00] =	vst v3;
	s20 =	sadd.s32 $0x400, s20  }
.Ltmp9:
0xfa: {  	v10 =	vadd.s32 s23, v0;
	s23 =	sadd.s32 $0x4, s21;
	v4 =	vld.idx.msk [tilespmem:v9+s2+$0x0], $0xffff;
	[tilespmem:s20+$0x180] =	vst v1;
	(pc) =	sbr.rel @p1 .LBB2_16-.Ltmp9, $4  }
0xfb: {  	v11 =	vadd.s32 s23, v0;
	s23 =	sadd.s32 $0x5, s21;
	v3 =	vld.idx.msk [tilespmem:v7+s2+$0x0], $0xffff;
	[tilespmem:s20+$0xFFFFFE80] =	vst v2  }
0xfc: {  	v8 =	vadd.s32 s23, v0;
	s23 =	sadd.s32 $0x6, s21;
	v1 =	vld.idx.msk [tilespmem:v12+s2+$0x0], $0xffff;
	[tilespmem:s20+$0xFFFFFF00] =	vst v6  }
0xfd: {  	v9 =	vadd.s32 s23, v0;
	v2 =	vld.idx.msk [tilespmem:v14+s2+$0x0], $0xffff;
	[tilespmem:s20+$0xFFFFFF80] =	vst v13  }
0xfe: {  	v7 =	vadd.s32 s21, v0;
	s21 =	smov.u32 s22;
	s23 =	sadd.s32 $0x7, s22;
	s22 =	sadd.s32 $0x8, s22;
	v6 =	vld.idx.msk [tilespmem:v16+s2+$0x0], $0xffff;
	[tilespmem:s20+$0x0] =	vst v15  }
0xff: {  	_ =	sdelay $0x2  }
0x100: {  	[tilespmem:s20+$0x80] =	vst v5  }
0x101: {  	s22 =	sadd.s32 $0x1, s21;
	v5 =	vadd.s32 s23, v0;
	v10 =	vld.idx.msk [tilespmem:v10+s2+$0x0], $0xffff;
	[tilespmem:s20+$0x100] =	vst v4  }
0x102: {  	s29 =	sadd.s32 $0x2, s21;
	v11 =	vld.idx.msk [tilespmem:v11+s2+$0x0], $0xffff;
	s30 =	sadd.s32 $0x400, s20;
	v4 =	vadd.s32 s22, v0;
	[tilespmem:s20+$0xFFFFFE00] =	vst v3  }
0x103: {  	s31 =	sadd.s32 $0x3, s21;
	v8 =	vld.idx.msk [tilespmem:v8+s2+$0x0], $0xffff;
	v3 =	vadd.s32 s29, v0;
	[tilespmem:s30+$0x180] =	vst v1  }
0x104: {  	s23 =	sadd.s32 $0x4, s21;
	v9 =	vld.idx.msk [tilespmem:v9+s2+$0x0], $0xffff;
	v1 =	vadd.s32 s31, v0;
	[tilespmem:s30+$0xFFFFFE80] =	vst v2  }
0x105: {  	s24 =	sadd.s32 $0x5, s21;
	v7 =	vld.idx.msk [tilespmem:v7+s2+$0x0], $0xffff;
	v2 =	vadd.s32 s23, v0;
	[tilespmem:s30+$0xFFFFFF00] =	vst v6  }
0x106: {  	s25 =	sadd.s32 $0x6, s21;
	v6 =	vadd.s32 s24, v0;
	v5 =	vld.idx.msk [tilespmem:v5+s2+$0x0], $0xffff;
	[tilespmem:s30+$0xFFFFFF80] =	vst v10  }
0x107: {  	v10 =	vadd.s32 s25, v0;
	[tilespmem:s30+$0x0] =	vst v11;
	v4 =	vld.idx.msk [tilespmem:v4+s2+$0x0], $0xffff  }
0x108: {  	v0 =	vadd.s32 s21, v0;
	[tilespmem:s30+$0x80] =	vst v8;
	v3 =	vld.idx.msk [tilespmem:v3+s2+$0x0], $0xffff  }
0x109: {  	[tilespmem:s30+$0x100] =	vst v9;
	v1 =	vld.idx.msk [tilespmem:v1+s2+$0x0], $0xffff  }
0x10a: {  	s20 =	sadd.s32 $0x400, s30;
	[tilespmem:s30+$0xFFFFFE00] =	vst v7;
	v2 =	vld.idx.msk [tilespmem:v2+s2+$0x0], $0xffff  }
0x10b: {  	v6 =	vld.idx.msk [tilespmem:v6+s2+$0x0], $0xffff;
	[tilespmem:s20+$0x180] =	vst v5  }
0x10c: {  	v5 =	vld.idx.msk [tilespmem:v10+s2+$0x0], $0xffff;
	[tilespmem:s20+$0xFFFFFE80] =	vst v4  }
0x10d: {  	v0 =	vld.idx.msk [tilespmem:v0+s2+$0x0], $0xffff;
	[tilespmem:s20+$0xFFFFFF00] =	vst v3  }
0x10e: {  	[tilespmem:s20+$0xFFFFFF80] =	vst v1  }
0x10f: {  	[tilespmem:s20+$0x0] =	vst v2  }
0x110: {  	[tilespmem:s20+$0x80] =	vst v6  }
0x111: {  	[tilespmem:s20+$0x100] =	vst v5  }
0x112: {  	[tilespmem:s20+$0xFFFFFE00] =	vst v0  }
0x113: {  	v0 =	vld [tilespmem:s19+$0x19D0];
	_ =	sdelay $0x4  }
0x114: {  	v0 =	vmul.u32 $0x41, v0  }
0x115: {  	s26 =	simm.s32 $0x7  }
0x116: {  	s28 =	simm.s32 $0x1;
	v1 =	vadd.s32 s26, v0  }
0x117: {  	s29 =	simm.s32 $0x2;
	v2 =	vadd.s32 s28, v0  }
0x118: {  	s30 =	simm.s32 $0x3;
	v3 =	vadd.s32 s29, v0  }
0x119: {  	s31 =	simm.s32 $0x4;
	v4 =	vadd.s32 s30, v0  }
0x11a: {  	s21 =	simm.s32 $0x5;
	v5 =	vadd.s32 s31, v0  }
0x11b: {  	s22 =	simm.s32 $0x6;
	v6 =	vadd.s32 s21, v0;
	v1 =	vld.idx.msk [tilespmem:v1+s2+$0x0], $0xffff  }
0x11c: {  	s24 =	simm.s32 $0xF;
	v7 =	vadd.s32 s22, v0;
	v2 =	vld.idx.msk [tilespmem:v2+s2+$0x0], $0xffff  }
0x11d: {  	s23 =	simm.s32 $0x0;
	v11 =	vadd.s32 s24, v0;
	v9 =	vld.idx.msk [tilespmem:v3+s2+$0x0], $0xffff  }
0x11e: {  	v8 =	vadd.s32 s23, v0;
	s26 =	simm.s32 $0xA;
	v12 =	vld.idx.msk [tilespmem:v4+s2+$0x0], $0xffff  }
0x11f: {  	s25 =	simm.s32 $0x9;
	v15 =	vadd.s32 s26, v0;
	v14 =	vld.idx.msk [tilespmem:v5+s2+$0x0], $0xffff  }
0x120: {  	s20 =	simm.s32 $0x1FD0;
	v13 =	vadd.s32 s25, v0;
	s28 =	simm.s32 $0xB;
	v5 =	vld.idx.msk [tilespmem:v6+s2+$0x0], $0xffff  }
0x121: {  	s29 =	simm.s32 $0xC;
	v10 =	vadd.s32 s28, v0;
	v4 =	vld.idx.msk [tilespmem:v7+s2+$0x0], $0xffff;
	[tilespmem:s20+$0x180] =	vst v1  }
0x122: {  	s30 =	simm.s32 $0xD;
	[tilespmem:s20+$0xFFFFFE80] =	vst v2;
	v1 =	vld.idx.msk [tilespmem:v11+s2+$0x0], $0xffff;
	v11 =	vadd.s32 s29, v0  }
0x123: {  	s31 =	simm.s32 $0xE;
	v3 =	vld.idx.msk [tilespmem:v8+s2+$0x0], $0xffff;
	v8 =	vadd.s32 s30, v0;
	[tilespmem:s20+$0xFFFFFF00] =	vst v9  }
0x124: {  	s24 =	simm.s32 $0x8;
	v6 =	vld.idx.msk [tilespmem:v15+s2+$0x0], $0xffff;
	[tilespmem:s20+$0xFFFFFF80] =	vst v12;
	v9 =	vadd.s32 s31, v0  }
0x125: {  	s21 =	simm.s32 $0x10;
	s23 =	simm.s32 $0x17;
	s22 =	simm.s32 $0x18;
	v7 =	vadd.s32 s24, v0;
	v2 =	vld.idx.msk [tilespmem:v13+s2+$0x0], $0xffff;
	[tilespmem:s20+$0x0] =	vst v14  }
.LBB2_18:
0x126: {  	p1 =	slt.u32 s22, $0x38;
	s24 =	sadd.s32 $0x1, s21;
	v12 =	vadd.s32 s23, v0;
	v13 =	vld.idx.msk [tilespmem:v10+s2+$0x0], $0xffff;
	[tilespmem:s20+$0x80] =	vst v5  }
0x127: {  	s23 =	sadd.s32 $0x2, s21;
	v14 =	vadd.s32 s24, v0;
	v15 =	vld.idx.msk [tilespmem:v11+s2+$0x0], $0xffff;
	[tilespmem:s20+$0x100] =	vst v4  }
0x128: {  	v16 =	vadd.s32 s23, v0;
	s23 =	sadd.s32 $0x3, s21;
	v5 =	vld.idx.msk [tilespmem:v8+s2+$0x0], $0xffff;
	[tilespmem:s20+$0xFFFFFE00] =	vst v3;
	s20 =	sadd.s32 $0x400, s20  }
.Ltmp10:
0x129: {  	v10 =	vadd.s32 s23, v0;
	s23 =	sadd.s32 $0x4, s21;
	v4 =	vld.idx.msk [tilespmem:v9+s2+$0x0], $0xffff;
	[tilespmem:s20+$0x180] =	vst v1;
	(pc) =	sbr.rel @p1 .LBB2_18-.Ltmp10, $4  }
0x12a: {  	v11 =	vadd.s32 s23, v0;
	s23 =	sadd.s32 $0x5, s21;
	v3 =	vld.idx.msk [tilespmem:v7+s2+$0x0], $0xffff;
	[tilespmem:s20+$0xFFFFFE80] =	vst v2  }
0x12b: {  	v8 =	vadd.s32 s23, v0;
	s23 =	sadd.s32 $0x6, s21;
	v1 =	vld.idx.msk [tilespmem:v12+s2+$0x0], $0xffff;
	[tilespmem:s20+$0xFFFFFF00] =	vst v6  }
0x12c: {  	v9 =	vadd.s32 s23, v0;
	v2 =	vld.idx.msk [tilespmem:v14+s2+$0x0], $0xffff;
	[tilespmem:s20+$0xFFFFFF80] =	vst v13  }
0x12d: {  	v7 =	vadd.s32 s21, v0;
	s21 =	smov.u32 s22;
	s23 =	sadd.s32 $0x7, s22;
	s22 =	sadd.s32 $0x8, s22;
	v6 =	vld.idx.msk [tilespmem:v16+s2+$0x0], $0xffff;
	[tilespmem:s20+$0x0] =	vst v15  }
0x12e: {  	_ =	sdelay $0x2  }
0x12f: {  	[tilespmem:s20+$0x80] =	vst v5  }
0x130: {  	s22 =	sadd.s32 $0x1, s21;
	v5 =	vadd.s32 s23, v0;
	v10 =	vld.idx.msk [tilespmem:v10+s2+$0x0], $0xffff;
	[tilespmem:s20+$0x100] =	vst v4  }
0x131: {  	s29 =	sadd.s32 $0x2, s21;
	v11 =	vld.idx.msk [tilespmem:v11+s2+$0x0], $0xffff;
	s30 =	sadd.s32 $0x400, s20;
	v4 =	vadd.s32 s22, v0;
	[tilespmem:s20+$0xFFFFFE00] =	vst v3  }
0x132: {  	s31 =	sadd.s32 $0x3, s21;
	v8 =	vld.idx.msk [tilespmem:v8+s2+$0x0], $0xffff;
	v3 =	vadd.s32 s29, v0;
	[tilespmem:s30+$0x180] =	vst v1  }
0x133: {  	s23 =	sadd.s32 $0x4, s21;
	v9 =	vld.idx.msk [tilespmem:v9+s2+$0x0], $0xffff;
	v1 =	vadd.s32 s31, v0;
	[tilespmem:s30+$0xFFFFFE80] =	vst v2  }
0x134: {  	s24 =	sadd.s32 $0x5, s21;
	v7 =	vld.idx.msk [tilespmem:v7+s2+$0x0], $0xffff;
	v2 =	vadd.s32 s23, v0;
	[tilespmem:s30+$0xFFFFFF00] =	vst v6  }
0x135: {  	s25 =	sadd.s32 $0x6, s21;
	v6 =	vadd.s32 s24, v0;
	v5 =	vld.idx.msk [tilespmem:v5+s2+$0x0], $0xffff;
	[tilespmem:s30+$0xFFFFFF80] =	vst v10  }
0x136: {  	v10 =	vadd.s32 s25, v0;
	[tilespmem:s30+$0x0] =	vst v11;
	v4 =	vld.idx.msk [tilespmem:v4+s2+$0x0], $0xffff  }
0x137: {  	v0 =	vadd.s32 s21, v0;
	[tilespmem:s30+$0x80] =	vst v8;
	v3 =	vld.idx.msk [tilespmem:v3+s2+$0x0], $0xffff  }
0x138: {  	[tilespmem:s30+$0x100] =	vst v9;
	v1 =	vld.idx.msk [tilespmem:v1+s2+$0x0], $0xffff  }
0x139: {  	s20 =	sadd.s32 $0x400, s30;
	[tilespmem:s30+$0xFFFFFE00] =	vst v7;
	v2 =	vld.idx.msk [tilespmem:v2+s2+$0x0], $0xffff  }
0x13a: {  	v6 =	vld.idx.msk [tilespmem:v6+s2+$0x0], $0xffff;
	[tilespmem:s20+$0x180] =	vst v5  }
0x13b: {  	v5 =	vld.idx.msk [tilespmem:v10+s2+$0x0], $0xffff;
	[tilespmem:s20+$0xFFFFFE80] =	vst v4  }
0x13c: {  	v0 =	vld.idx.msk [tilespmem:v0+s2+$0x0], $0xffff;
	[tilespmem:s20+$0xFFFFFF00] =	vst v3  }
0x13d: {  	[tilespmem:s20+$0xFFFFFF80] =	vst v1  }
0x13e: {  	[tilespmem:s20+$0x0] =	vst v2  }
0x13f: {  	[tilespmem:s20+$0x80] =	vst v6  }
0x140: {  	[tilespmem:s20+$0x100] =	vst v5  }
0x141: {  	[tilespmem:s20+$0xFFFFFE00] =	vst v0  }
0x142: {  	v0 =	vld [tilespmem:s19+$0x19E0];
	_ =	sdelay $0x4  }
0x143: {  	v0 =	vmul.u32 $0x41, v0  }
0x144: {  	s26 =	simm.s32 $0x7  }
0x145: {  	s28 =	simm.s32 $0x1;
	v1 =	vadd.s32 s26, v0  }
0x146: {  	s29 =	simm.s32 $0x2;
	v2 =	vadd.s32 s28, v0  }
0x147: {  	s30 =	simm.s32 $0x3;
	v3 =	vadd.s32 s29, v0  }
0x148: {  	s31 =	simm.s32 $0x4;
	v4 =	vadd.s32 s30, v0  }
0x149: {  	s21 =	simm.s32 $0x5;
	v5 =	vadd.s32 s31, v0  }
0x14a: {  	s22 =	simm.s32 $0x6;
	v6 =	vadd.s32 s21, v0;
	v1 =	vld.idx.msk [tilespmem:v1+s2+$0x0], $0xffff  }
0x14b: {  	s24 =	simm.s32 $0xF;
	v7 =	vadd.s32 s22, v0;
	v2 =	vld.idx.msk [tilespmem:v2+s2+$0x0], $0xffff  }
0x14c: {  	s23 =	simm.s32 $0x0;
	v11 =	vadd.s32 s24, v0;
	v9 =	vld.idx.msk [tilespmem:v3+s2+$0x0], $0xffff  }
0x14d: {  	v8 =	vadd.s32 s23, v0;
	s26 =	simm.s32 $0xA;
	v12 =	vld.idx.msk [tilespmem:v4+s2+$0x0], $0xffff  }
0x14e: {  	s25 =	simm.s32 $0x9;
	v15 =	vadd.s32 s26, v0;
	v14 =	vld.idx.msk [tilespmem:v5+s2+$0x0], $0xffff  }
0x14f: {  	s20 =	simm.s32 $0x1FE0;
	v13 =	vadd.s32 s25, v0;
	s28 =	simm.s32 $0xB;
	v5 =	vld.idx.msk [tilespmem:v6+s2+$0x0], $0xffff  }
0x150: {  	s29 =	simm.s32 $0xC;
	v10 =	vadd.s32 s28, v0;
	v4 =	vld.idx.msk [tilespmem:v7+s2+$0x0], $0xffff;
	[tilespmem:s20+$0x180] =	vst v1  }
0x151: {  	s30 =	simm.s32 $0xD;
	[tilespmem:s20+$0xFFFFFE80] =	vst v2;
	v1 =	vld.idx.msk [tilespmem:v11+s2+$0x0], $0xffff;
	v11 =	vadd.s32 s29, v0  }
0x152: {  	s31 =	simm.s32 $0xE;
	v3 =	vld.idx.msk [tilespmem:v8+s2+$0x0], $0xffff;
	v8 =	vadd.s32 s30, v0;
	[tilespmem:s20+$0xFFFFFF00] =	vst v9  }
0x153: {  	s24 =	simm.s32 $0x8;
	v6 =	vld.idx.msk [tilespmem:v15+s2+$0x0], $0xffff;
	[tilespmem:s20+$0xFFFFFF80] =	vst v12;
	v9 =	vadd.s32 s31, v0  }
0x154: {  	s21 =	simm.s32 $0x10;
	s23 =	simm.s32 $0x17;
	s22 =	simm.s32 $0x18;
	v7 =	vadd.s32 s24, v0;
	v2 =	vld.idx.msk [tilespmem:v13+s2+$0x0], $0xffff;
	[tilespmem:s20+$0x0] =	vst v14  }
.LBB2_20:
0x155: {  	p1 =	slt.u32 s22, $0x38;
	s24 =	sadd.s32 $0x1, s21;
	v12 =	vadd.s32 s23, v0;
	v13 =	vld.idx.msk [tilespmem:v10+s2+$0x0], $0xffff;
	[tilespmem:s20+$0x80] =	vst v5  }
0x156: {  	s23 =	sadd.s32 $0x2, s21;
	v14 =	vadd.s32 s24, v0;
	v15 =	vld.idx.msk [tilespmem:v11+s2+$0x0], $0xffff;
	[tilespmem:s20+$0x100] =	vst v4  }
0x157: {  	v16 =	vadd.s32 s23, v0;
	s23 =	sadd.s32 $0x3, s21;
	v5 =	vld.idx.msk [tilespmem:v8+s2+$0x0], $0xffff;
	[tilespmem:s20+$0xFFFFFE00] =	vst v3;
	s20 =	sadd.s32 $0x400, s20  }
.Ltmp11:
0x158: {  	v10 =	vadd.s32 s23, v0;
	s23 =	sadd.s32 $0x4, s21;
	v4 =	vld.idx.msk [tilespmem:v9+s2+$0x0], $0xffff;
	[tilespmem:s20+$0x180] =	vst v1;
	(pc) =	sbr.rel @p1 .LBB2_20-.Ltmp11, $4  }
0x159: {  	v11 =	vadd.s32 s23, v0;
	s23 =	sadd.s32 $0x5, s21;
	v3 =	vld.idx.msk [tilespmem:v7+s2+$0x0], $0xffff;
	[tilespmem:s20+$0xFFFFFE80] =	vst v2  }
0x15a: {  	v8 =	vadd.s32 s23, v0;
	s23 =	sadd.s32 $0x6, s21;
	v1 =	vld.idx.msk [tilespmem:v12+s2+$0x0], $0xffff;
	[tilespmem:s20+$0xFFFFFF00] =	vst v6  }
0x15b: {  	v9 =	vadd.s32 s23, v0;
	v2 =	vld.idx.msk [tilespmem:v14+s2+$0x0], $0xffff;
	[tilespmem:s20+$0xFFFFFF80] =	vst v13  }
0x15c: {  	v7 =	vadd.s32 s21, v0;
	s21 =	smov.u32 s22;
	s23 =	sadd.s32 $0x7, s22;
	s22 =	sadd.s32 $0x8, s22;
	v6 =	vld.idx.msk [tilespmem:v16+s2+$0x0], $0xffff;
	[tilespmem:s20+$0x0] =	vst v15  }
0x15d: {  	_ =	sdelay $0x2  }
0x15e: {  	[tilespmem:s20+$0x80] =	vst v5  }
0x15f: {  	s22 =	sadd.s32 $0x1, s21;
	v5 =	vadd.s32 s23, v0;
	v10 =	vld.idx.msk [tilespmem:v10+s2+$0x0], $0xffff;
	[tilespmem:s20+$0x100] =	vst v4  }
0x160: {  	s29 =	sadd.s32 $0x2, s21;
	v11 =	vld.idx.msk [tilespmem:v11+s2+$0x0], $0xffff;
	s30 =	sadd.s32 $0x400, s20;
	v4 =	vadd.s32 s22, v0;
	[tilespmem:s20+$0xFFFFFE00] =	vst v3  }
0x161: {  	s31 =	sadd.s32 $0x3, s21;
	v8 =	vld.idx.msk [tilespmem:v8+s2+$0x0], $0xffff;
	v3 =	vadd.s32 s29, v0;
	[tilespmem:s30+$0x180] =	vst v1  }
0x162: {  	s23 =	sadd.s32 $0x4, s21;
	v9 =	vld.idx.msk [tilespmem:v9+s2+$0x0], $0xffff;
	v1 =	vadd.s32 s31, v0;
	[tilespmem:s30+$0xFFFFFE80] =	vst v2  }
0x163: {  	s24 =	sadd.s32 $0x5, s21;
	v7 =	vld.idx.msk [tilespmem:v7+s2+$0x0], $0xffff;
	v2 =	vadd.s32 s23, v0;
	[tilespmem:s30+$0xFFFFFF00] =	vst v6  }
0x164: {  	s25 =	sadd.s32 $0x6, s21;
	v6 =	vadd.s32 s24, v0;
	v5 =	vld.idx.msk [tilespmem:v5+s2+$0x0], $0xffff;
	[tilespmem:s30+$0xFFFFFF80] =	vst v10  }
0x165: {  	v10 =	vadd.s32 s25, v0;
	[tilespmem:s30+$0x0] =	vst v11;
	v4 =	vld.idx.msk [tilespmem:v4+s2+$0x0], $0xffff  }
0x166: {  	v0 =	vadd.s32 s21, v0;
	[tilespmem:s30+$0x80] =	vst v8;
	v3 =	vld.idx.msk [tilespmem:v3+s2+$0x0], $0xffff  }
0x167: {  	[tilespmem:s30+$0x100] =	vst v9;
	v1 =	vld.idx.msk [tilespmem:v1+s2+$0x0], $0xffff  }
0x168: {  	s20 =	sadd.s32 $0x400, s30;
	[tilespmem:s30+$0xFFFFFE00] =	vst v7;
	v2 =	vld.idx.msk [tilespmem:v2+s2+$0x0], $0xffff  }
0x169: {  	v6 =	vld.idx.msk [tilespmem:v6+s2+$0x0], $0xffff;
	[tilespmem:s20+$0x180] =	vst v5  }
0x16a: {  	v5 =	vld.idx.msk [tilespmem:v10+s2+$0x0], $0xffff;
	[tilespmem:s20+$0xFFFFFE80] =	vst v4  }
0x16b: {  	v0 =	vld.idx.msk [tilespmem:v0+s2+$0x0], $0xffff;
	[tilespmem:s20+$0xFFFFFF00] =	vst v3  }
0x16c: {  	[tilespmem:s20+$0xFFFFFF80] =	vst v1  }
0x16d: {  	[tilespmem:s20+$0x0] =	vst v2  }
0x16e: {  	[tilespmem:s20+$0x80] =	vst v6  }
0x16f: {  	[tilespmem:s20+$0x100] =	vst v5  }
0x170: {  	[tilespmem:s20+$0xFFFFFE00] =	vst v0  }
0x171: {  	v0 =	vld [tilespmem:s19+$0x19F0];
	_ =	sdelay $0x4  }
0x172: {  	v0 =	vmul.u32 $0x41, v0  }
0x173: {  	s26 =	simm.s32 $0x7  }
0x174: {  	s28 =	simm.s32 $0x1;
	v1 =	vadd.s32 s26, v0  }
0x175: {  	s29 =	simm.s32 $0x2;
	v2 =	vadd.s32 s28, v0  }
0x176: {  	s30 =	simm.s32 $0x3;
	v3 =	vadd.s32 s29, v0  }
0x177: {  	s31 =	simm.s32 $0x4;
	v4 =	vadd.s32 s30, v0  }
0x178: {  	s21 =	simm.s32 $0x5;
	v5 =	vadd.s32 s31, v0  }
0x179: {  	s22 =	simm.s32 $0x6;
	v6 =	vadd.s32 s21, v0;
	v1 =	vld.idx.msk [tilespmem:v1+s2+$0x0], $0xffff  }
0x17a: {  	s24 =	simm.s32 $0xF;
	v7 =	vadd.s32 s22, v0;
	v2 =	vld.idx.msk [tilespmem:v2+s2+$0x0], $0xffff  }
0x17b: {  	s23 =	simm.s32 $0x0;
	v11 =	vadd.s32 s24, v0;
	v9 =	vld.idx.msk [tilespmem:v3+s2+$0x0], $0xffff  }
0x17c: {  	v8 =	vadd.s32 s23, v0;
	s26 =	simm.s32 $0xA;
	v12 =	vld.idx.msk [tilespmem:v4+s2+$0x0], $0xffff  }
0x17d: {  	s25 =	simm.s32 $0x9;
	v15 =	vadd.s32 s26, v0;
	v14 =	vld.idx.msk [tilespmem:v5+s2+$0x0], $0xffff  }
0x17e: {  	s20 =	simm.s32 $0x1FF0;
	v13 =	vadd.s32 s25, v0;
	s28 =	simm.s32 $0xB;
	v5 =	vld.idx.msk [tilespmem:v6+s2+$0x0], $0xffff  }
0x17f: {  	s29 =	simm.s32 $0xC;
	v10 =	vadd.s32 s28, v0;
	v4 =	vld.idx.msk [tilespmem:v7+s2+$0x0], $0xffff;
	[tilespmem:s20+$0x180] =	vst v1  }
0x180: {  	s30 =	simm.s32 $0xD;
	[tilespmem:s20+$0xFFFFFE80] =	vst v2;
	v1 =	vld.idx.msk [tilespmem:v11+s2+$0x0], $0xffff;
	v11 =	vadd.s32 s29, v0  }
0x181: {  	s31 =	simm.s32 $0xE;
	v3 =	vld.idx.msk [tilespmem:v8+s2+$0x0], $0xffff;
	v8 =	vadd.s32 s30, v0;
	[tilespmem:s20+$0xFFFFFF00] =	vst v9  }
0x182: {  	s24 =	simm.s32 $0x8;
	v6 =	vld.idx.msk [tilespmem:v15+s2+$0x0], $0xffff;
	[tilespmem:s20+$0xFFFFFF80] =	vst v12;
	v9 =	vadd.s32 s31, v0  }
0x183: {  	s21 =	simm.s32 $0x10;
	s23 =	simm.s32 $0x17;
	s22 =	simm.s32 $0x18;
	v7 =	vadd.s32 s24, v0;
	v2 =	vld.idx.msk [tilespmem:v13+s2+$0x0], $0xffff;
	[tilespmem:s20+$0x0] =	vst v14  }
.LBB2_22:
0x184: {  	p1 =	slt.u32 s22, $0x38;
	s24 =	sadd.s32 $0x1, s21;
	v12 =	vadd.s32 s23, v0;
	v13 =	vld.idx.msk [tilespmem:v10+s2+$0x0], $0xffff;
	[tilespmem:s20+$0x80] =	vst v5  }
0x185: {  	s23 =	sadd.s32 $0x2, s21;
	v14 =	vadd.s32 s24, v0;
	v15 =	vld.idx.msk [tilespmem:v11+s2+$0x0], $0xffff;
	[tilespmem:s20+$0x100] =	vst v4  }
0x186: {  	v16 =	vadd.s32 s23, v0;
	s23 =	sadd.s32 $0x3, s21;
	v5 =	vld.idx.msk [tilespmem:v8+s2+$0x0], $0xffff;
	[tilespmem:s20+$0xFFFFFE00] =	vst v3;
	s20 =	sadd.s32 $0x400, s20  }
.Ltmp12:
0x187: {  	v10 =	vadd.s32 s23, v0;
	s23 =	sadd.s32 $0x4, s21;
	v4 =	vld.idx.msk [tilespmem:v9+s2+$0x0], $0xffff;
	[tilespmem:s20+$0x180] =	vst v1;
	(pc) =	sbr.rel @p1 .LBB2_22-.Ltmp12, $4  }
0x188: {  	v11 =	vadd.s32 s23, v0;
	s23 =	sadd.s32 $0x5, s21;
	v3 =	vld.idx.msk [tilespmem:v7+s2+$0x0], $0xffff;
	[tilespmem:s20+$0xFFFFFE80] =	vst v2  }
0x189: {  	v8 =	vadd.s32 s23, v0;
	s23 =	sadd.s32 $0x6, s21;
	v1 =	vld.idx.msk [tilespmem:v12+s2+$0x0], $0xffff;
	[tilespmem:s20+$0xFFFFFF00] =	vst v6  }
0x18a: {  	v9 =	vadd.s32 s23, v0;
	v2 =	vld.idx.msk [tilespmem:v14+s2+$0x0], $0xffff;
	[tilespmem:s20+$0xFFFFFF80] =	vst v13  }
0x18b: {  	v7 =	vadd.s32 s21, v0;
	s21 =	smov.u32 s22;
	s23 =	sadd.s32 $0x7, s22;
	s22 =	sadd.s32 $0x8, s22;
	v6 =	vld.idx.msk [tilespmem:v16+s2+$0x0], $0xffff;
	[tilespmem:s20+$0x0] =	vst v15  }
0x18c: {  	_ =	sdelay $0x2  }
0x18d: {  	[tilespmem:s20+$0x80] =	vst v5  }
0x18e: {  	s22 =	sadd.s32 $0x1, s21;
	v5 =	vadd.s32 s23, v0;
	v10 =	vld.idx.msk [tilespmem:v10+s2+$0x0], $0xffff;
	[tilespmem:s20+$0x100] =	vst v4  }
0x18f: {  	s25 =	sadd.s32 $0x2, s21;
	v11 =	vld.idx.msk [tilespmem:v11+s2+$0x0], $0xffff;
	s26 =	sadd.s32 $0x400, s20;
	v4 =	vadd.s32 s22, v0;
	[tilespmem:s20+$0xFFFFFE00] =	vst v3  }
0x190: {  	s28 =	sadd.s32 $0x3, s21;
	v8 =	vld.idx.msk [tilespmem:v8+s2+$0x0], $0xffff;
	v3 =	vadd.s32 s25, v0;
	[tilespmem:s26+$0x180] =	vst v1  }
0x191: {  	s29 =	sadd.s32 $0x4, s21;
	v9 =	vld.idx.msk [tilespmem:v9+s2+$0x0], $0xffff;
	v1 =	vadd.s32 s28, v0;
	[tilespmem:s26+$0xFFFFFE80] =	vst v2  }
0x192: {  	s30 =	sadd.s32 $0x5, s21;
	v7 =	vld.idx.msk [tilespmem:v7+s2+$0x0], $0xffff;
	v2 =	vadd.s32 s29, v0;
	[tilespmem:s26+$0xFFFFFF00] =	vst v6  }
0x193: {  	s31 =	sadd.s32 $0x6, s21;
	v6 =	vadd.s32 s30, v0;
	v5 =	vld.idx.msk [tilespmem:v5+s2+$0x0], $0xffff;
	[tilespmem:s26+$0xFFFFFF80] =	vst v10  }
0x194: {  	v10 =	vadd.s32 s31, v0;
	[tilespmem:s26+$0x0] =	vst v11;
	v4 =	vld.idx.msk [tilespmem:v4+s2+$0x0], $0xffff  }
0x195: {  	v0 =	vadd.s32 s21, v0;
	[tilespmem:s26+$0x80] =	vst v8;
	v3 =	vld.idx.msk [tilespmem:v3+s2+$0x0], $0xffff  }
0x196: {  	[tilespmem:s26+$0x100] =	vst v9;
	v1 =	vld.idx.msk [tilespmem:v1+s2+$0x0], $0xffff  }
0x197: {  	s22 =	sadd.s32 $0x400, s26;
	[tilespmem:s26+$0xFFFFFE00] =	vst v7;
	v2 =	vld.idx.msk [tilespmem:v2+s2+$0x0], $0xffff  }
0x198: {  	v6 =	vld.idx.msk [tilespmem:v6+s2+$0x0], $0xffff;
	[tilespmem:s22+$0x180] =	vst v5  }
0x199: {  	v5 =	vld.idx.msk [tilespmem:v10+s2+$0x0], $0xffff;
	[tilespmem:s22+$0xFFFFFE80] =	vst v4  }
0x19a: {  	v0 =	vld.idx.msk [tilespmem:v0+s2+$0x0], $0xffff;
	[tilespmem:s22+$0xFFFFFF00] =	vst v3  }
0x19b: {  	[tilespmem:s22+$0xFFFFFF80] =	vst v1  }
0x19c: {  	[tilespmem:s22+$0x0] =	vst v2  }
0x19d: {  	s20 =	sshll.u32 s18, $0x10;
	[tilespmem:s22+$0x80] =	vst v6  }
0x19e: {  	s23 =	sadd.s32 s1, s20;
	[tilespmem:s22+$0x100] =	vst v5  }
0x19f: {  	s24 =	sadd.s32 s5, s23;
	s21 =	simm.s32 @!p0 $0x2;
	[tilespmem:s22+$0xFFFFFE00] =	vst v0  }
0x1a0: {  	[hbm4b:s24+s11] =	stream.strided.scatter [tilespmem:s13], [sflag:$0x1], $0x2000, s12, s11, $0x38;
	[tilespmem:$0x5D80] =	vst v63  }
0x1a1: {  	_ =	swait.ge @!p0 [sflag:s21], $0x2000  }
0x1a2: {  	[sflag:s21] =	ssyncset.done @!p0 $0x0  }
0x1a3: {  	[sflag:s21] =	ssyncadd.s32 @!p0 $0xFFFFE000  }
0x1a4: {  	v0 =	vld [tilespmem:s19+$0x1A00];
	_ =	sdelay $0x4  }
0x1a5: {  	v0 =	vmul.u32 $0x41, v0  }
0x1a6: {  	s25 =	simm.s32 $0x7  }
0x1a7: {  	s26 =	simm.s32 $0x1;
	v1 =	vadd.s32 s25, v0  }
0x1a8: {  	s28 =	simm.s32 $0x2;
	v2 =	vadd.s32 s26, v0  }
0x1a9: {  	s29 =	simm.s32 $0x3;
	v3 =	vadd.s32 s28, v0  }
0x1aa: {  	s30 =	simm.s32 $0x4;
	v4 =	vadd.s32 s29, v0  }
0x1ab: {  	s31 =	simm.s32 $0x5;
	v5 =	vadd.s32 s30, v0  }
0x1ac: {  	s22 =	simm.s32 $0x6;
	v6 =	vadd.s32 s31, v0;
	v1 =	vld.idx.msk [tilespmem:v1+s2+$0x0], $0xffff  }
0x1ad: {  	s24 =	simm.s32 $0xF;
	v7 =	vadd.s32 s22, v0;
	v2 =	vld.idx.msk [tilespmem:v2+s2+$0x0], $0xffff  }
0x1ae: {  	s23 =	simm.s32 $0x0;
	v11 =	vadd.s32 s24, v0;
	v9 =	vld.idx.msk [tilespmem:v3+s2+$0x0], $0xffff  }
0x1af: {  	v8 =	vadd.s32 s23, v0;
	s26 =	simm.s32 $0xA;
	v12 =	vld.idx.msk [tilespmem:v4+s2+$0x0], $0xffff  }
0x1b0: {  	s25 =	simm.s32 $0x9;
	v15 =	vadd.s32 s26, v0;
	v14 =	vld.idx.msk [tilespmem:v5+s2+$0x0], $0xffff  }
0x1b1: {  	s21 =	simm.s32 $0x4100;
	s28 =	simm.s32 $0xB;
	v13 =	vadd.s32 s25, v0;
	v5 =	vld.idx.msk [tilespmem:v6+s2+$0x0], $0xffff  }
0x1b2: {  	s29 =	simm.s32 $0xC;
	v10 =	vadd.s32 s28, v0;
	v4 =	vld.idx.msk [tilespmem:v7+s2+$0x0], $0xffff;
	[tilespmem:s21+$0x0] =	vst v1  }
0x1b3: {  	s30 =	simm.s32 $0xD;
	[tilespmem:s21+$0xFFFFFD00] =	vst v2;
	v1 =	vld.idx.msk [tilespmem:v11+s2+$0x0], $0xffff;
	v11 =	vadd.s32 s29, v0  }
0x1b4: {  	s31 =	simm.s32 $0xE;
	v3 =	vld.idx.msk [tilespmem:v8+s2+$0x0], $0xffff;
	v8 =	vadd.s32 s30, v0;
	[tilespmem:s21+$0xFFFFFD80] =	vst v9  }
0x1b5: {  	s25 =	simm.s32 $0x8;
	v6 =	vld.idx.msk [tilespmem:v15+s2+$0x0], $0xffff;
	[tilespmem:s21+$0xFFFFFE00] =	vst v12;
	v9 =	vadd.s32 s31, v0  }
0x1b6: {  	s22 =	simm.s32 $0x10;
	s24 =	simm.s32 $0x17;
	s23 =	simm.s32 $0x18;
	v7 =	vadd.s32 s25, v0;
	v2 =	vld.idx.msk [tilespmem:v13+s2+$0x0], $0xffff;
	[tilespmem:s21+$0xFFFFFE80] =	vst v14  }
.LBB2_24:
0x1b7: {  	p0 =	slt.u32 s23, $0x38;
	s25 =	sadd.s32 $0x1, s22;
	v12 =	vadd.s32 s24, v0;
	v13 =	vld.idx.msk [tilespmem:v10+s2+$0x0], $0xffff;
	[tilespmem:s21+$0xFFFFFF00] =	vst v5  }
0x1b8: {  	s24 =	sadd.s32 $0x2, s22;
	v14 =	vadd.s32 s25, v0;
	v15 =	vld.idx.msk [tilespmem:v11+s2+$0x0], $0xffff;
	[tilespmem:s21+$0xFFFFFF80] =	vst v4  }
0x1b9: {  	v16 =	vadd.s32 s24, v0;
	s24 =	sadd.s32 $0x3, s22;
	v5 =	vld.idx.msk [tilespmem:v8+s2+$0x0], $0xffff;
	[tilespmem:s21+$0xFFFFFC80] =	vst v3;
	s21 =	sadd.s32 $0x400, s21  }
.Ltmp13:
0x1ba: {  	v10 =	vadd.s32 s24, v0;
	s24 =	sadd.s32 $0x4, s22;
	v4 =	vld.idx.msk [tilespmem:v9+s2+$0x0], $0xffff;
	[tilespmem:s21+$0x0] =	vst v1;
	(pc) =	sbr.rel @p0 .LBB2_24-.Ltmp13, $4  }
0x1bb: {  	v11 =	vadd.s32 s24, v0;
	s24 =	sadd.s32 $0x5, s22;
	v3 =	vld.idx.msk [tilespmem:v7+s2+$0x0], $0xffff;
	[tilespmem:s21+$0xFFFFFD00] =	vst v2  }
0x1bc: {  	v8 =	vadd.s32 s24, v0;
	s24 =	sadd.s32 $0x6, s22;
	v1 =	vld.idx.msk [tilespmem:v12+s2+$0x0], $0xffff;
	[tilespmem:s21+$0xFFFFFD80] =	vst v6  }
0x1bd: {  	v9 =	vadd.s32 s24, v0;
	v2 =	vld.idx.msk [tilespmem:v14+s2+$0x0], $0xffff;
	[tilespmem:s21+$0xFFFFFE00] =	vst v13  }
0x1be: {  	v7 =	vadd.s32 s22, v0;
	s22 =	smov.u32 s23;
	s24 =	sadd.s32 $0x7, s23;
	s23 =	sadd.s32 $0x8, s23;
	v6 =	vld.idx.msk [tilespmem:v16+s2+$0x0], $0xffff;
	[tilespmem:s21+$0xFFFFFE80] =	vst v15  }
0x1bf: {  	_ =	sdelay $0x2  }
0x1c0: {  	[tilespmem:s21+$0xFFFFFF00] =	vst v5  }
0x1c1: {  	s23 =	sadd.s32 $0x1, s22;
	v5 =	vadd.s32 s24, v0;
	v10 =	vld.idx.msk [tilespmem:v10+s2+$0x0], $0xffff;
	[tilespmem:s21+$0xFFFFFF80] =	vst v4  }
0x1c2: {  	s26 =	sadd.s32 $0x2, s22;
	v11 =	vld.idx.msk [tilespmem:v11+s2+$0x0], $0xffff;
	s28 =	sadd.s32 $0x400, s21;
	v4 =	vadd.s32 s23, v0;
	[tilespmem:s21+$0xFFFFFC80] =	vst v3  }
0x1c3: {  	s29 =	sadd.s32 $0x3, s22;
	v8 =	vld.idx.msk [tilespmem:v8+s2+$0x0], $0xffff;
	v3 =	vadd.s32 s26, v0;
	[tilespmem:s28+$0x0] =	vst v1  }
0x1c4: {  	s30 =	sadd.s32 $0x4, s22;
	v9 =	vld.idx.msk [tilespmem:v9+s2+$0x0], $0xffff;
	v1 =	vadd.s32 s29, v0;
	[tilespmem:s28+$0xFFFFFD00] =	vst v2  }
0x1c5: {  	s31 =	sadd.s32 $0x5, s22;
	v7 =	vld.idx.msk [tilespmem:v7+s2+$0x0], $0xffff;
	v2 =	vadd.s32 s30, v0;
	[tilespmem:s28+$0xFFFFFD80] =	vst v6  }
0x1c6: {  	s24 =	sadd.s32 $0x6, s22;
	v6 =	vadd.s32 s31, v0;
	v5 =	vld.idx.msk [tilespmem:v5+s2+$0x0], $0xffff;
	[tilespmem:s28+$0xFFFFFE00] =	vst v10  }
0x1c7: {  	v10 =	vadd.s32 s24, v0;
	[tilespmem:s28+$0xFFFFFE80] =	vst v11;
	v4 =	vld.idx.msk [tilespmem:v4+s2+$0x0], $0xffff  }
0x1c8: {  	v0 =	vadd.s32 s22, v0;
	[tilespmem:s28+$0xFFFFFF00] =	vst v8;
	v3 =	vld.idx.msk [tilespmem:v3+s2+$0x0], $0xffff  }
0x1c9: {  	[tilespmem:s28+$0xFFFFFF80] =	vst v9;
	v1 =	vld.idx.msk [tilespmem:v1+s2+$0x0], $0xffff  }
0x1ca: {  	s21 =	sadd.s32 $0x400, s28;
	[tilespmem:s28+$0xFFFFFC80] =	vst v7;
	v2 =	vld.idx.msk [tilespmem:v2+s2+$0x0], $0xffff  }
0x1cb: {  	v6 =	vld.idx.msk [tilespmem:v6+s2+$0x0], $0xffff;
	[tilespmem:s21+$0x0] =	vst v5  }
0x1cc: {  	v5 =	vld.idx.msk [tilespmem:v10+s2+$0x0], $0xffff;
	[tilespmem:s21+$0xFFFFFD00] =	vst v4  }
0x1cd: {  	v0 =	vld.idx.msk [tilespmem:v0+s2+$0x0], $0xffff;
	[tilespmem:s21+$0xFFFFFD80] =	vst v3  }
0x1ce: {  	[tilespmem:s21+$0xFFFFFE00] =	vst v1  }
0x1cf: {  	[tilespmem:s21+$0xFFFFFE80] =	vst v2  }
0x1d0: {  	[tilespmem:s21+$0xFFFFFF00] =	vst v6  }
0x1d1: {  	[tilespmem:s21+$0xFFFFFF80] =	vst v5  }
0x1d2: {  	[tilespmem:s21+$0xFFFFFC80] =	vst v0  }
0x1d3: {  	v0 =	vld [tilespmem:s19+$0x1A10];
	_ =	sdelay $0x4  }
0x1d4: {  	v0 =	vmul.u32 $0x41, v0  }
0x1d5: {  	s25 =	simm.s32 $0x7  }
0x1d6: {  	s26 =	simm.s32 $0x1;
	v1 =	vadd.s32 s25, v0  }
0x1d7: {  	s28 =	simm.s32 $0x2;
	v2 =	vadd.s32 s26, v0  }
0x1d8: {  	s29 =	simm.s32 $0x3;
	v3 =	vadd.s32 s28, v0  }
0x1d9: {  	s30 =	simm.s32 $0x4;
	v4 =	vadd.s32 s29, v0  }
0x1da: {  	s31 =	simm.s32 $0x5;
	v5 =	vadd.s32 s30, v0  }
0x1db: {  	s22 =	simm.s32 $0x6;
	v6 =	vadd.s32 s31, v0;
	v1 =	vld.idx.msk [tilespmem:v1+s2+$0x0], $0xffff  }
0x1dc: {  	s24 =	simm.s32 $0xF;
	v7 =	vadd.s32 s22, v0;
	v2 =	vld.idx.msk [tilespmem:v2+s2+$0x0], $0xffff  }
0x1dd: {  	s23 =	simm.s32 $0x0;
	v11 =	vadd.s32 s24, v0;
	v9 =	vld.idx.msk [tilespmem:v3+s2+$0x0], $0xffff  }
0x1de: {  	v8 =	vadd.s32 s23, v0;
	s26 =	simm.s32 $0xA;
	v12 =	vld.idx.msk [tilespmem:v4+s2+$0x0], $0xffff  }
0x1df: {  	s25 =	simm.s32 $0x9;
	v15 =	vadd.s32 s26, v0;
	v14 =	vld.idx.msk [tilespmem:v5+s2+$0x0], $0xffff  }
0x1e0: {  	s21 =	simm.s32 $0x4110;
	s28 =	simm.s32 $0xB;
	v13 =	vadd.s32 s25, v0;
	v5 =	vld.idx.msk [tilespmem:v6+s2+$0x0], $0xffff  }
0x1e1: {  	s29 =	simm.s32 $0xC;
	v10 =	vadd.s32 s28, v0;
	v4 =	vld.idx.msk [tilespmem:v7+s2+$0x0], $0xffff;
	[tilespmem:s21+$0x0] =	vst v1  }
0x1e2: {  	s30 =	simm.s32 $0xD;
	[tilespmem:s21+$0xFFFFFD00] =	vst v2;
	v1 =	vld.idx.msk [tilespmem:v11+s2+$0x0], $0xffff;
	v11 =	vadd.s32 s29, v0  }
0x1e3: {  	s31 =	simm.s32 $0xE;
	v3 =	vld.idx.msk [tilespmem:v8+s2+$0x0], $0xffff;
	v8 =	vadd.s32 s30, v0;
	[tilespmem:s21+$0xFFFFFD80] =	vst v9  }
0x1e4: {  	s25 =	simm.s32 $0x8;
	v6 =	vld.idx.msk [tilespmem:v15+s2+$0x0], $0xffff;
	[tilespmem:s21+$0xFFFFFE00] =	vst v12;
	v9 =	vadd.s32 s31, v0  }
0x1e5: {  	s22 =	simm.s32 $0x10;
	s24 =	simm.s32 $0x17;
	s23 =	simm.s32 $0x18;
	v7 =	vadd.s32 s25, v0;
	v2 =	vld.idx.msk [tilespmem:v13+s2+$0x0], $0xffff;
	[tilespmem:s21+$0xFFFFFE80] =	vst v14  }
.LBB2_26:
0x1e6: {  	p0 =	slt.u32 s23, $0x38;
	s25 =	sadd.s32 $0x1, s22;
	v12 =	vadd.s32 s24, v0;
	v13 =	vld.idx.msk [tilespmem:v10+s2+$0x0], $0xffff;
	[tilespmem:s21+$0xFFFFFF00] =	vst v5  }
0x1e7: {  	s24 =	sadd.s32 $0x2, s22;
	v14 =	vadd.s32 s25, v0;
	v15 =	vld.idx.msk [tilespmem:v11+s2+$0x0], $0xffff;
	[tilespmem:s21+$0xFFFFFF80] =	vst v4  }
0x1e8: {  	v16 =	vadd.s32 s24, v0;
	s24 =	sadd.s32 $0x3, s22;
	v5 =	vld.idx.msk [tilespmem:v8+s2+$0x0], $0xffff;
	[tilespmem:s21+$0xFFFFFC80] =	vst v3;
	s21 =	sadd.s32 $0x400, s21  }
.Ltmp14:
0x1e9: {  	v10 =	vadd.s32 s24, v0;
	s24 =	sadd.s32 $0x4, s22;
	v4 =	vld.idx.msk [tilespmem:v9+s2+$0x0], $0xffff;
	[tilespmem:s21+$0x0] =	vst v1;
	(pc) =	sbr.rel @p0 .LBB2_26-.Ltmp14, $4  }
0x1ea: {  	v11 =	vadd.s32 s24, v0;
	s24 =	sadd.s32 $0x5, s22;
	v3 =	vld.idx.msk [tilespmem:v7+s2+$0x0], $0xffff;
	[tilespmem:s21+$0xFFFFFD00] =	vst v2  }
0x1eb: {  	v8 =	vadd.s32 s24, v0;
	s24 =	sadd.s32 $0x6, s22;
	v1 =	vld.idx.msk [tilespmem:v12+s2+$0x0], $0xffff;
	[tilespmem:s21+$0xFFFFFD80] =	vst v6  }
0x1ec: {  	v9 =	vadd.s32 s24, v0;
	v2 =	vld.idx.msk [tilespmem:v14+s2+$0x0], $0xffff;
	[tilespmem:s21+$0xFFFFFE00] =	vst v13  }
0x1ed: {  	v7 =	vadd.s32 s22, v0;
	s22 =	smov.u32 s23;
	s24 =	sadd.s32 $0x7, s23;
	s23 =	sadd.s32 $0x8, s23;
	v6 =	vld.idx.msk [tilespmem:v16+s2+$0x0], $0xffff;
	[tilespmem:s21+$0xFFFFFE80] =	vst v15  }
0x1ee: {  	_ =	sdelay $0x2  }
0x1ef: {  	[tilespmem:s21+$0xFFFFFF00] =	vst v5  }
0x1f0: {  	s23 =	sadd.s32 $0x1, s22;
	v5 =	vadd.s32 s24, v0;
	v10 =	vld.idx.msk [tilespmem:v10+s2+$0x0], $0xffff;
	[tilespmem:s21+$0xFFFFFF80] =	vst v4  }
0x1f1: {  	s26 =	sadd.s32 $0x2, s22;
	v11 =	vld.idx.msk [tilespmem:v11+s2+$0x0], $0xffff;
	s28 =	sadd.s32 $0x400, s21;
	v4 =	vadd.s32 s23, v0;
	[tilespmem:s21+$0xFFFFFC80] =	vst v3  }
0x1f2: {  	s29 =	sadd.s32 $0x3, s22;
	v8 =	vld.idx.msk [tilespmem:v8+s2+$0x0], $0xffff;
	v3 =	vadd.s32 s26, v0;
	[tilespmem:s28+$0x0] =	vst v1  }
0x1f3: {  	s30 =	sadd.s32 $0x4, s22;
	v9 =	vld.idx.msk [tilespmem:v9+s2+$0x0], $0xffff;
	v1 =	vadd.s32 s29, v0;
	[tilespmem:s28+$0xFFFFFD00] =	vst v2  }
0x1f4: {  	s31 =	sadd.s32 $0x5, s22;
	v7 =	vld.idx.msk [tilespmem:v7+s2+$0x0], $0xffff;
	v2 =	vadd.s32 s30, v0;
	[tilespmem:s28+$0xFFFFFD80] =	vst v6  }
0x1f5: {  	s24 =	sadd.s32 $0x6, s22;
	v6 =	vadd.s32 s31, v0;
	v5 =	vld.idx.msk [tilespmem:v5+s2+$0x0], $0xffff;
	[tilespmem:s28+$0xFFFFFE00] =	vst v10  }
0x1f6: {  	v10 =	vadd.s32 s24, v0;
	[tilespmem:s28+$0xFFFFFE80] =	vst v11;
	v4 =	vld.idx.msk [tilespmem:v4+s2+$0x0], $0xffff  }
0x1f7: {  	v0 =	vadd.s32 s22, v0;
	[tilespmem:s28+$0xFFFFFF00] =	vst v8;
	v3 =	vld.idx.msk [tilespmem:v3+s2+$0x0], $0xffff  }
0x1f8: {  	[tilespmem:s28+$0xFFFFFF80] =	vst v9;
	v1 =	vld.idx.msk [tilespmem:v1+s2+$0x0], $0xffff  }
0x1f9: {  	s21 =	sadd.s32 $0x400, s28;
	[tilespmem:s28+$0xFFFFFC80] =	vst v7;
	v2 =	vld.idx.msk [tilespmem:v2+s2+$0x0], $0xffff  }
0x1fa: {  	v6 =	vld.idx.msk [tilespmem:v6+s2+$0x0], $0xffff;
	[tilespmem:s21+$0x0] =	vst v5  }
0x1fb: {  	v5 =	vld.idx.msk [tilespmem:v10+s2+$0x0], $0xffff;
	[tilespmem:s21+$0xFFFFFD00] =	vst v4  }
0x1fc: {  	v0 =	vld.idx.msk [tilespmem:v0+s2+$0x0], $0xffff;
	[tilespmem:s21+$0xFFFFFD80] =	vst v3  }
0x1fd: {  	[tilespmem:s21+$0xFFFFFE00] =	vst v1  }
0x1fe: {  	[tilespmem:s21+$0xFFFFFE80] =	vst v2  }
0x1ff: {  	[tilespmem:s21+$0xFFFFFF00] =	vst v6  }
0x200: {  	[tilespmem:s21+$0xFFFFFF80] =	vst v5  }
0x201: {  	[tilespmem:s21+$0xFFFFFC80] =	vst v0  }
0x202: {  	v0 =	vld [tilespmem:s19+$0x1A20];
	_ =	sdelay $0x4  }
0x203: {  	v0 =	vmul.u32 $0x41, v0  }
0x204: {  	s25 =	simm.s32 $0x7  }
0x205: {  	s26 =	simm.s32 $0x1;
	v1 =	vadd.s32 s25, v0  }
0x206: {  	s28 =	simm.s32 $0x2;
	v2 =	vadd.s32 s26, v0  }
0x207: {  	s29 =	simm.s32 $0x3;
	v3 =	vadd.s32 s28, v0  }
0x208: {  	s30 =	simm.s32 $0x4;
	v4 =	vadd.s32 s29, v0  }
0x209: {  	s31 =	simm.s32 $0x5;
	v5 =	vadd.s32 s30, v0  }
0x20a: {  	s22 =	simm.s32 $0x6;
	v6 =	vadd.s32 s31, v0;
	v1 =	vld.idx.msk [tilespmem:v1+s2+$0x0], $0xffff  }
0x20b: {  	s24 =	simm.s32 $0xF;
	v7 =	vadd.s32 s22, v0;
	v2 =	vld.idx.msk [tilespmem:v2+s2+$0x0], $0xffff  }
0x20c: {  	s23 =	simm.s32 $0x0;
	v11 =	vadd.s32 s24, v0;
	v9 =	vld.idx.msk [tilespmem:v3+s2+$0x0], $0xffff  }
0x20d: {  	v8 =	vadd.s32 s23, v0;
	s26 =	simm.s32 $0xA;
	v12 =	vld.idx.msk [tilespmem:v4+s2+$0x0], $0xffff  }
0x20e: {  	s25 =	simm.s32 $0x9;
	v15 =	vadd.s32 s26, v0;
	v14 =	vld.idx.msk [tilespmem:v5+s2+$0x0], $0xffff  }
0x20f: {  	s21 =	simm.s32 $0x4120;
	s28 =	simm.s32 $0xB;
	v13 =	vadd.s32 s25, v0;
	v5 =	vld.idx.msk [tilespmem:v6+s2+$0x0], $0xffff  }
0x210: {  	s29 =	simm.s32 $0xC;
	v10 =	vadd.s32 s28, v0;
	v4 =	vld.idx.msk [tilespmem:v7+s2+$0x0], $0xffff;
	[tilespmem:s21+$0x0] =	vst v1  }
0x211: {  	s30 =	simm.s32 $0xD;
	[tilespmem:s21+$0xFFFFFD00] =	vst v2;
	v1 =	vld.idx.msk [tilespmem:v11+s2+$0x0], $0xffff;
	v11 =	vadd.s32 s29, v0  }
0x212: {  	s31 =	simm.s32 $0xE;
	v3 =	vld.idx.msk [tilespmem:v8+s2+$0x0], $0xffff;
	v8 =	vadd.s32 s30, v0;
	[tilespmem:s21+$0xFFFFFD80] =	vst v9  }
0x213: {  	s25 =	simm.s32 $0x8;
	v6 =	vld.idx.msk [tilespmem:v15+s2+$0x0], $0xffff;
	[tilespmem:s21+$0xFFFFFE00] =	vst v12;
	v9 =	vadd.s32 s31, v0  }
0x214: {  	s22 =	simm.s32 $0x10;
	s24 =	simm.s32 $0x17;
	s23 =	simm.s32 $0x18;
	v7 =	vadd.s32 s25, v0;
	v2 =	vld.idx.msk [tilespmem:v13+s2+$0x0], $0xffff;
	[tilespmem:s21+$0xFFFFFE80] =	vst v14  }
.LBB2_28:
0x215: {  	p0 =	slt.u32 s23, $0x38;
	s25 =	sadd.s32 $0x1, s22;
	v12 =	vadd.s32 s24, v0;
	v13 =	vld.idx.msk [tilespmem:v10+s2+$0x0], $0xffff;
	[tilespmem:s21+$0xFFFFFF00] =	vst v5  }
0x216: {  	s24 =	sadd.s32 $0x2, s22;
	v14 =	vadd.s32 s25, v0;
	v15 =	vld.idx.msk [tilespmem:v11+s2+$0x0], $0xffff;
	[tilespmem:s21+$0xFFFFFF80] =	vst v4  }
0x217: {  	v16 =	vadd.s32 s24, v0;
	s24 =	sadd.s32 $0x3, s22;
	v5 =	vld.idx.msk [tilespmem:v8+s2+$0x0], $0xffff;
	[tilespmem:s21+$0xFFFFFC80] =	vst v3;
	s21 =	sadd.s32 $0x400, s21  }
.Ltmp15:
0x218: {  	v10 =	vadd.s32 s24, v0;
	s24 =	sadd.s32 $0x4, s22;
	v4 =	vld.idx.msk [tilespmem:v9+s2+$0x0], $0xffff;
	[tilespmem:s21+$0x0] =	vst v1;
	(pc) =	sbr.rel @p0 .LBB2_28-.Ltmp15, $4  }
0x219: {  	v11 =	vadd.s32 s24, v0;
	s24 =	sadd.s32 $0x5, s22;
	v3 =	vld.idx.msk [tilespmem:v7+s2+$0x0], $0xffff;
	[tilespmem:s21+$0xFFFFFD00] =	vst v2  }
0x21a: {  	v8 =	vadd.s32 s24, v0;
	s24 =	sadd.s32 $0x6, s22;
	v1 =	vld.idx.msk [tilespmem:v12+s2+$0x0], $0xffff;
	[tilespmem:s21+$0xFFFFFD80] =	vst v6  }
0x21b: {  	v9 =	vadd.s32 s24, v0;
	v2 =	vld.idx.msk [tilespmem:v14+s2+$0x0], $0xffff;
	[tilespmem:s21+$0xFFFFFE00] =	vst v13  }
0x21c: {  	v7 =	vadd.s32 s22, v0;
	s22 =	smov.u32 s23;
	s24 =	sadd.s32 $0x7, s23;
	s23 =	sadd.s32 $0x8, s23;
	v6 =	vld.idx.msk [tilespmem:v16+s2+$0x0], $0xffff;
	[tilespmem:s21+$0xFFFFFE80] =	vst v15  }
0x21d: {  	_ =	sdelay $0x2  }
0x21e: {  	[tilespmem:s21+$0xFFFFFF00] =	vst v5  }
0x21f: {  	s23 =	sadd.s32 $0x1, s22;
	v5 =	vadd.s32 s24, v0;
	v10 =	vld.idx.msk [tilespmem:v10+s2+$0x0], $0xffff;
	[tilespmem:s21+$0xFFFFFF80] =	vst v4  }
0x220: {  	s26 =	sadd.s32 $0x2, s22;
	v11 =	vld.idx.msk [tilespmem:v11+s2+$0x0], $0xffff;
	s28 =	sadd.s32 $0x400, s21;
	v4 =	vadd.s32 s23, v0;
	[tilespmem:s21+$0xFFFFFC80] =	vst v3  }
0x221: {  	s29 =	sadd.s32 $0x3, s22;
	v8 =	vld.idx.msk [tilespmem:v8+s2+$0x0], $0xffff;
	v3 =	vadd.s32 s26, v0;
	[tilespmem:s28+$0x0] =	vst v1  }
0x222: {  	s30 =	sadd.s32 $0x4, s22;
	v9 =	vld.idx.msk [tilespmem:v9+s2+$0x0], $0xffff;
	v1 =	vadd.s32 s29, v0;
	[tilespmem:s28+$0xFFFFFD00] =	vst v2  }
0x223: {  	s31 =	sadd.s32 $0x5, s22;
	v7 =	vld.idx.msk [tilespmem:v7+s2+$0x0], $0xffff;
	v2 =	vadd.s32 s30, v0;
	[tilespmem:s28+$0xFFFFFD80] =	vst v6  }
0x224: {  	s24 =	sadd.s32 $0x6, s22;
	v6 =	vadd.s32 s31, v0;
	v5 =	vld.idx.msk [tilespmem:v5+s2+$0x0], $0xffff;
	[tilespmem:s28+$0xFFFFFE00] =	vst v10  }
0x225: {  	v10 =	vadd.s32 s24, v0;
	[tilespmem:s28+$0xFFFFFE80] =	vst v11;
	v4 =	vld.idx.msk [tilespmem:v4+s2+$0x0], $0xffff  }
0x226: {  	v0 =	vadd.s32 s22, v0;
	[tilespmem:s28+$0xFFFFFF00] =	vst v8;
	v3 =	vld.idx.msk [tilespmem:v3+s2+$0x0], $0xffff  }
0x227: {  	[tilespmem:s28+$0xFFFFFF80] =	vst v9;
	v1 =	vld.idx.msk [tilespmem:v1+s2+$0x0], $0xffff  }
0x228: {  	s21 =	sadd.s32 $0x400, s28;
	[tilespmem:s28+$0xFFFFFC80] =	vst v7;
	v2 =	vld.idx.msk [tilespmem:v2+s2+$0x0], $0xffff  }
0x229: {  	v6 =	vld.idx.msk [tilespmem:v6+s2+$0x0], $0xffff;
	[tilespmem:s21+$0x0] =	vst v5  }
0x22a: {  	v5 =	vld.idx.msk [tilespmem:v10+s2+$0x0], $0xffff;
	[tilespmem:s21+$0xFFFFFD00] =	vst v4  }
0x22b: {  	v0 =	vld.idx.msk [tilespmem:v0+s2+$0x0], $0xffff;
	[tilespmem:s21+$0xFFFFFD80] =	vst v3  }
0x22c: {  	[tilespmem:s21+$0xFFFFFE00] =	vst v1  }
0x22d: {  	[tilespmem:s21+$0xFFFFFE80] =	vst v2  }
0x22e: {  	[tilespmem:s21+$0xFFFFFF00] =	vst v6  }
0x22f: {  	[tilespmem:s21+$0xFFFFFF80] =	vst v5  }
0x230: {  	[tilespmem:s21+$0xFFFFFC80] =	vst v0  }
0x231: {  	v0 =	vld [tilespmem:s19+$0x1A30];
	_ =	sdelay $0x4  }
0x232: {  	v0 =	vmul.u32 $0x41, v0  }
0x233: {  	s25 =	simm.s32 $0x7  }
0x234: {  	s26 =	simm.s32 $0x1;
	v1 =	vadd.s32 s25, v0  }
0x235: {  	s28 =	simm.s32 $0x2;
	v2 =	vadd.s32 s26, v0  }
0x236: {  	s29 =	simm.s32 $0x3;
	v3 =	vadd.s32 s28, v0  }
0x237: {  	s30 =	simm.s32 $0x4;
	v4 =	vadd.s32 s29, v0  }
0x238: {  	s31 =	simm.s32 $0x5;
	v5 =	vadd.s32 s30, v0  }
0x239: {  	s22 =	simm.s32 $0x6;
	v6 =	vadd.s32 s31, v0;
	v1 =	vld.idx.msk [tilespmem:v1+s2+$0x0], $0xffff  }
0x23a: {  	s24 =	simm.s32 $0xF;
	v7 =	vadd.s32 s22, v0;
	v2 =	vld.idx.msk [tilespmem:v2+s2+$0x0], $0xffff  }
0x23b: {  	s23 =	simm.s32 $0x0;
	v11 =	vadd.s32 s24, v0;
	v9 =	vld.idx.msk [tilespmem:v3+s2+$0x0], $0xffff  }
0x23c: {  	v8 =	vadd.s32 s23, v0;
	s26 =	simm.s32 $0xA;
	v12 =	vld.idx.msk [tilespmem:v4+s2+$0x0], $0xffff  }
0x23d: {  	s25 =	simm.s32 $0x9;
	v15 =	vadd.s32 s26, v0;
	v14 =	vld.idx.msk [tilespmem:v5+s2+$0x0], $0xffff  }
0x23e: {  	s21 =	simm.s32 $0x4130;
	s28 =	simm.s32 $0xB;
	v13 =	vadd.s32 s25, v0;
	v5 =	vld.idx.msk [tilespmem:v6+s2+$0x0], $0xffff  }
0x23f: {  	s29 =	simm.s32 $0xC;
	v10 =	vadd.s32 s28, v0;
	v4 =	vld.idx.msk [tilespmem:v7+s2+$0x0], $0xffff;
	[tilespmem:s21+$0x0] =	vst v1  }
0x240: {  	s30 =	simm.s32 $0xD;
	[tilespmem:s21+$0xFFFFFD00] =	vst v2;
	v1 =	vld.idx.msk [tilespmem:v11+s2+$0x0], $0xffff;
	v11 =	vadd.s32 s29, v0  }
0x241: {  	s31 =	simm.s32 $0xE;
	v3 =	vld.idx.msk [tilespmem:v8+s2+$0x0], $0xffff;
	v8 =	vadd.s32 s30, v0;
	[tilespmem:s21+$0xFFFFFD80] =	vst v9  }
0x242: {  	s25 =	simm.s32 $0x8;
	v6 =	vld.idx.msk [tilespmem:v15+s2+$0x0], $0xffff;
	[tilespmem:s21+$0xFFFFFE00] =	vst v12;
	v9 =	vadd.s32 s31, v0  }
0x243: {  	s22 =	simm.s32 $0x10;
	s24 =	simm.s32 $0x17;
	s23 =	simm.s32 $0x18;
	v7 =	vadd.s32 s25, v0;
	v2 =	vld.idx.msk [tilespmem:v13+s2+$0x0], $0xffff;
	[tilespmem:s21+$0xFFFFFE80] =	vst v14  }
.LBB2_30:
0x244: {  	p0 =	slt.u32 s23, $0x38;
	s25 =	sadd.s32 $0x1, s22;
	v12 =	vadd.s32 s24, v0;
	v13 =	vld.idx.msk [tilespmem:v10+s2+$0x0], $0xffff;
	[tilespmem:s21+$0xFFFFFF00] =	vst v5  }
0x245: {  	s24 =	sadd.s32 $0x2, s22;
	v14 =	vadd.s32 s25, v0;
	v15 =	vld.idx.msk [tilespmem:v11+s2+$0x0], $0xffff;
	[tilespmem:s21+$0xFFFFFF80] =	vst v4  }
0x246: {  	v16 =	vadd.s32 s24, v0;
	s24 =	sadd.s32 $0x3, s22;
	v5 =	vld.idx.msk [tilespmem:v8+s2+$0x0], $0xffff;
	[tilespmem:s21+$0xFFFFFC80] =	vst v3;
	s21 =	sadd.s32 $0x400, s21  }
.Ltmp16:
0x247: {  	v10 =	vadd.s32 s24, v0;
	s24 =	sadd.s32 $0x4, s22;
	v4 =	vld.idx.msk [tilespmem:v9+s2+$0x0], $0xffff;
	[tilespmem:s21+$0x0] =	vst v1;
	(pc) =	sbr.rel @p0 .LBB2_30-.Ltmp16, $4  }
0x248: {  	v11 =	vadd.s32 s24, v0;
	s24 =	sadd.s32 $0x5, s22;
	v3 =	vld.idx.msk [tilespmem:v7+s2+$0x0], $0xffff;
	[tilespmem:s21+$0xFFFFFD00] =	vst v2  }
0x249: {  	v8 =	vadd.s32 s24, v0;
	s24 =	sadd.s32 $0x6, s22;
	v1 =	vld.idx.msk [tilespmem:v12+s2+$0x0], $0xffff;
	[tilespmem:s21+$0xFFFFFD80] =	vst v6  }
0x24a: {  	v9 =	vadd.s32 s24, v0;
	v2 =	vld.idx.msk [tilespmem:v14+s2+$0x0], $0xffff;
	[tilespmem:s21+$0xFFFFFE00] =	vst v13  }
0x24b: {  	v7 =	vadd.s32 s22, v0;
	s22 =	smov.u32 s23;
	s24 =	sadd.s32 $0x7, s23;
	s23 =	sadd.s32 $0x8, s23;
	v6 =	vld.idx.msk [tilespmem:v16+s2+$0x0], $0xffff;
	[tilespmem:s21+$0xFFFFFE80] =	vst v15  }
0x24c: {  	_ =	sdelay $0x2  }
0x24d: {  	[tilespmem:s21+$0xFFFFFF00] =	vst v5  }
0x24e: {  	s23 =	sadd.s32 $0x1, s22;
	v5 =	vadd.s32 s24, v0;
	v10 =	vld.idx.msk [tilespmem:v10+s2+$0x0], $0xffff;
	[tilespmem:s21+$0xFFFFFF80] =	vst v4  }
0x24f: {  	s26 =	sadd.s32 $0x2, s22;
	v11 =	vld.idx.msk [tilespmem:v11+s2+$0x0], $0xffff;
	s28 =	sadd.s32 $0x400, s21;
	v4 =	vadd.s32 s23, v0;
	[tilespmem:s21+$0xFFFFFC80] =	vst v3  }
0x250: {  	s29 =	sadd.s32 $0x3, s22;
	v8 =	vld.idx.msk [tilespmem:v8+s2+$0x0], $0xffff;
	v3 =	vadd.s32 s26, v0;
	[tilespmem:s28+$0x0] =	vst v1  }
0x251: {  	s30 =	sadd.s32 $0x4, s22;
	v9 =	vld.idx.msk [tilespmem:v9+s2+$0x0], $0xffff;
	v1 =	vadd.s32 s29, v0;
	[tilespmem:s28+$0xFFFFFD00] =	vst v2  }
0x252: {  	s31 =	sadd.s32 $0x5, s22;
	v7 =	vld.idx.msk [tilespmem:v7+s2+$0x0], $0xffff;
	v2 =	vadd.s32 s30, v0;
	[tilespmem:s28+$0xFFFFFD80] =	vst v6  }
0x253: {  	s24 =	sadd.s32 $0x6, s22;
	v6 =	vadd.s32 s31, v0;
	v5 =	vld.idx.msk [tilespmem:v5+s2+$0x0], $0xffff;
	[tilespmem:s28+$0xFFFFFE00] =	vst v10  }
0x254: {  	v10 =	vadd.s32 s24, v0;
	[tilespmem:s28+$0xFFFFFE80] =	vst v11;
	v4 =	vld.idx.msk [tilespmem:v4+s2+$0x0], $0xffff  }
0x255: {  	v0 =	vadd.s32 s22, v0;
	[tilespmem:s28+$0xFFFFFF00] =	vst v8;
	v3 =	vld.idx.msk [tilespmem:v3+s2+$0x0], $0xffff  }
0x256: {  	[tilespmem:s28+$0xFFFFFF80] =	vst v9;
	v1 =	vld.idx.msk [tilespmem:v1+s2+$0x0], $0xffff  }
0x257: {  	s21 =	sadd.s32 $0x400, s28;
	[tilespmem:s28+$0xFFFFFC80] =	vst v7;
	v2 =	vld.idx.msk [tilespmem:v2+s2+$0x0], $0xffff  }
0x258: {  	v6 =	vld.idx.msk [tilespmem:v6+s2+$0x0], $0xffff;
	[tilespmem:s21+$0x0] =	vst v5  }
0x259: {  	v5 =	vld.idx.msk [tilespmem:v10+s2+$0x0], $0xffff;
	[tilespmem:s21+$0xFFFFFD00] =	vst v4  }
0x25a: {  	v0 =	vld.idx.msk [tilespmem:v0+s2+$0x0], $0xffff;
	[tilespmem:s21+$0xFFFFFD80] =	vst v3  }
0x25b: {  	[tilespmem:s21+$0xFFFFFE00] =	vst v1  }
0x25c: {  	[tilespmem:s21+$0xFFFFFE80] =	vst v2  }
0x25d: {  	[tilespmem:s21+$0xFFFFFF00] =	vst v6  }
0x25e: {  	[tilespmem:s21+$0xFFFFFF80] =	vst v5  }
0x25f: {  	[tilespmem:s21+$0xFFFFFC80] =	vst v0  }
0x260: {  	v0 =	vld [tilespmem:s19+$0x1A40];
	_ =	sdelay $0x4  }
0x261: {  	v0 =	vmul.u32 $0x41, v0  }
0x262: {  	s25 =	simm.s32 $0x7  }
0x263: {  	s26 =	simm.s32 $0x1;
	v1 =	vadd.s32 s25, v0  }
0x264: {  	s28 =	simm.s32 $0x2;
	v2 =	vadd.s32 s26, v0  }
0x265: {  	s29 =	simm.s32 $0x3;
	v3 =	vadd.s32 s28, v0  }
0x266: {  	s30 =	simm.s32 $0x4;
	v4 =	vadd.s32 s29, v0  }
0x267: {  	s31 =	simm.s32 $0x5;
	v5 =	vadd.s32 s30, v0  }
0x268: {  	s22 =	simm.s32 $0x6;
	v6 =	vadd.s32 s31, v0;
	v1 =	vld.idx.msk [tilespmem:v1+s2+$0x0], $0xffff  }
0x269: {  	s24 =	simm.s32 $0xF;
	v7 =	vadd.s32 s22, v0;
	v2 =	vld.idx.msk [tilespmem:v2+s2+$0x0], $0xffff  }
0x26a: {  	s23 =	simm.s32 $0x0;
	v11 =	vadd.s32 s24, v0;
	v9 =	vld.idx.msk [tilespmem:v3+s2+$0x0], $0xffff  }
0x26b: {  	v8 =	vadd.s32 s23, v0;
	s26 =	simm.s32 $0xA;
	v12 =	vld.idx.msk [tilespmem:v4+s2+$0x0], $0xffff  }
0x26c: {  	s25 =	simm.s32 $0x9;
	v15 =	vadd.s32 s26, v0;
	v14 =	vld.idx.msk [tilespmem:v5+s2+$0x0], $0xffff  }
0x26d: {  	s21 =	simm.s32 $0x4140;
	s28 =	simm.s32 $0xB;
	v13 =	vadd.s32 s25, v0;
	v5 =	vld.idx.msk [tilespmem:v6+s2+$0x0], $0xffff  }
0x26e: {  	s29 =	simm.s32 $0xC;
	v10 =	vadd.s32 s28, v0;
	v4 =	vld.idx.msk [tilespmem:v7+s2+$0x0], $0xffff;
	[tilespmem:s21+$0x0] =	vst v1  }
0x26f: {  	s30 =	simm.s32 $0xD;
	[tilespmem:s21+$0xFFFFFD00] =	vst v2;
	v1 =	vld.idx.msk [tilespmem:v11+s2+$0x0], $0xffff;
	v11 =	vadd.s32 s29, v0  }
0x270: {  	s31 =	simm.s32 $0xE;
	v3 =	vld.idx.msk [tilespmem:v8+s2+$0x0], $0xffff;
	v8 =	vadd.s32 s30, v0;
	[tilespmem:s21+$0xFFFFFD80] =	vst v9  }
0x271: {  	s25 =	simm.s32 $0x8;
	v6 =	vld.idx.msk [tilespmem:v15+s2+$0x0], $0xffff;
	[tilespmem:s21+$0xFFFFFE00] =	vst v12;
	v9 =	vadd.s32 s31, v0  }
0x272: {  	s22 =	simm.s32 $0x10;
	s24 =	simm.s32 $0x17;
	s23 =	simm.s32 $0x18;
	v7 =	vadd.s32 s25, v0;
	v2 =	vld.idx.msk [tilespmem:v13+s2+$0x0], $0xffff;
	[tilespmem:s21+$0xFFFFFE80] =	vst v14  }
.LBB2_32:
0x273: {  	p0 =	slt.u32 s23, $0x38;
	s25 =	sadd.s32 $0x1, s22;
	v12 =	vadd.s32 s24, v0;
	v13 =	vld.idx.msk [tilespmem:v10+s2+$0x0], $0xffff;
	[tilespmem:s21+$0xFFFFFF00] =	vst v5  }
0x274: {  	s24 =	sadd.s32 $0x2, s22;
	v14 =	vadd.s32 s25, v0;
	v15 =	vld.idx.msk [tilespmem:v11+s2+$0x0], $0xffff;
	[tilespmem:s21+$0xFFFFFF80] =	vst v4  }
0x275: {  	v16 =	vadd.s32 s24, v0;
	s24 =	sadd.s32 $0x3, s22;
	v5 =	vld.idx.msk [tilespmem:v8+s2+$0x0], $0xffff;
	[tilespmem:s21+$0xFFFFFC80] =	vst v3;
	s21 =	sadd.s32 $0x400, s21  }
.Ltmp17:
0x276: {  	v10 =	vadd.s32 s24, v0;
	s24 =	sadd.s32 $0x4, s22;
	v4 =	vld.idx.msk [tilespmem:v9+s2+$0x0], $0xffff;
	[tilespmem:s21+$0x0] =	vst v1;
	(pc) =	sbr.rel @p0 .LBB2_32-.Ltmp17, $4  }
0x277: {  	v11 =	vadd.s32 s24, v0;
	s24 =	sadd.s32 $0x5, s22;
	v3 =	vld.idx.msk [tilespmem:v7+s2+$0x0], $0xffff;
	[tilespmem:s21+$0xFFFFFD00] =	vst v2  }
0x278: {  	v8 =	vadd.s32 s24, v0;
	s24 =	sadd.s32 $0x6, s22;
	v1 =	vld.idx.msk [tilespmem:v12+s2+$0x0], $0xffff;
	[tilespmem:s21+$0xFFFFFD80] =	vst v6  }
0x279: {  	v9 =	vadd.s32 s24, v0;
	v2 =	vld.idx.msk [tilespmem:v14+s2+$0x0], $0xffff;
	[tilespmem:s21+$0xFFFFFE00] =	vst v13  }
0x27a: {  	v7 =	vadd.s32 s22, v0;
	s22 =	smov.u32 s23;
	s24 =	sadd.s32 $0x7, s23;
	s23 =	sadd.s32 $0x8, s23;
	v6 =	vld.idx.msk [tilespmem:v16+s2+$0x0], $0xffff;
	[tilespmem:s21+$0xFFFFFE80] =	vst v15  }
0x27b: {  	_ =	sdelay $0x2  }
0x27c: {  	[tilespmem:s21+$0xFFFFFF00] =	vst v5  }
0x27d: {  	s23 =	sadd.s32 $0x1, s22;
	v5 =	vadd.s32 s24, v0;
	v10 =	vld.idx.msk [tilespmem:v10+s2+$0x0], $0xffff;
	[tilespmem:s21+$0xFFFFFF80] =	vst v4  }
0x27e: {  	s26 =	sadd.s32 $0x2, s22;
	v11 =	vld.idx.msk [tilespmem:v11+s2+$0x0], $0xffff;
	s28 =	sadd.s32 $0x400, s21;
	v4 =	vadd.s32 s23, v0;
	[tilespmem:s21+$0xFFFFFC80] =	vst v3  }
0x27f: {  	s29 =	sadd.s32 $0x3, s22;
	v8 =	vld.idx.msk [tilespmem:v8+s2+$0x0], $0xffff;
	v3 =	vadd.s32 s26, v0;
	[tilespmem:s28+$0x0] =	vst v1  }
0x280: {  	s30 =	sadd.s32 $0x4, s22;
	v9 =	vld.idx.msk [tilespmem:v9+s2+$0x0], $0xffff;
	v1 =	vadd.s32 s29, v0;
	[tilespmem:s28+$0xFFFFFD00] =	vst v2  }
0x281: {  	s31 =	sadd.s32 $0x5, s22;
	v7 =	vld.idx.msk [tilespmem:v7+s2+$0x0], $0xffff;
	v2 =	vadd.s32 s30, v0;
	[tilespmem:s28+$0xFFFFFD80] =	vst v6  }
0x282: {  	s24 =	sadd.s32 $0x6, s22;
	v6 =	vadd.s32 s31, v0;
	v5 =	vld.idx.msk [tilespmem:v5+s2+$0x0], $0xffff;
	[tilespmem:s28+$0xFFFFFE00] =	vst v10  }
0x283: {  	v10 =	vadd.s32 s24, v0;
	[tilespmem:s28+$0xFFFFFE80] =	vst v11;
	v4 =	vld.idx.msk [tilespmem:v4+s2+$0x0], $0xffff  }
0x284: {  	v0 =	vadd.s32 s22, v0;
	[tilespmem:s28+$0xFFFFFF00] =	vst v8;
	v3 =	vld.idx.msk [tilespmem:v3+s2+$0x0], $0xffff  }
0x285: {  	[tilespmem:s28+$0xFFFFFF80] =	vst v9;
	v1 =	vld.idx.msk [tilespmem:v1+s2+$0x0], $0xffff  }
0x286: {  	s21 =	sadd.s32 $0x400, s28;
	[tilespmem:s28+$0xFFFFFC80] =	vst v7;
	v2 =	vld.idx.msk [tilespmem:v2+s2+$0x0], $0xffff  }
0x287: {  	v6 =	vld.idx.msk [tilespmem:v6+s2+$0x0], $0xffff;
	[tilespmem:s21+$0x0] =	vst v5  }
0x288: {  	v5 =	vld.idx.msk [tilespmem:v10+s2+$0x0], $0xffff;
	[tilespmem:s21+$0xFFFFFD00] =	vst v4  }
0x289: {  	v0 =	vld.idx.msk [tilespmem:v0+s2+$0x0], $0xffff;
	[tilespmem:s21+$0xFFFFFD80] =	vst v3  }
0x28a: {  	[tilespmem:s21+$0xFFFFFE00] =	vst v1  }
0x28b: {  	[tilespmem:s21+$0xFFFFFE80] =	vst v2  }
0x28c: {  	[tilespmem:s21+$0xFFFFFF00] =	vst v6  }
0x28d: {  	[tilespmem:s21+$0xFFFFFF80] =	vst v5  }
0x28e: {  	[tilespmem:s21+$0xFFFFFC80] =	vst v0  }
0x28f: {  	v0 =	vld [tilespmem:s19+$0x1A50];
	_ =	sdelay $0x4  }
0x290: {  	v0 =	vmul.u32 $0x41, v0  }
0x291: {  	s25 =	simm.s32 $0x7  }
0x292: {  	s26 =	simm.s32 $0x1;
	v1 =	vadd.s32 s25, v0  }
0x293: {  	s28 =	simm.s32 $0x2;
	v2 =	vadd.s32 s26, v0  }
0x294: {  	s29 =	simm.s32 $0x3;
	v3 =	vadd.s32 s28, v0  }
0x295: {  	s30 =	simm.s32 $0x4;
	v4 =	vadd.s32 s29, v0  }
0x296: {  	s31 =	simm.s32 $0x5;
	v5 =	vadd.s32 s30, v0  }
0x297: {  	s22 =	simm.s32 $0x6;
	v6 =	vadd.s32 s31, v0;
	v1 =	vld.idx.msk [tilespmem:v1+s2+$0x0], $0xffff  }
0x298: {  	s24 =	simm.s32 $0xF;
	v7 =	vadd.s32 s22, v0;
	v2 =	vld.idx.msk [tilespmem:v2+s2+$0x0], $0xffff  }
0x299: {  	s23 =	simm.s32 $0x0;
	v11 =	vadd.s32 s24, v0;
	v9 =	vld.idx.msk [tilespmem:v3+s2+$0x0], $0xffff  }
0x29a: {  	v8 =	vadd.s32 s23, v0;
	s26 =	simm.s32 $0xA;
	v12 =	vld.idx.msk [tilespmem:v4+s2+$0x0], $0xffff  }
0x29b: {  	s25 =	simm.s32 $0x9;
	v15 =	vadd.s32 s26, v0;
	v14 =	vld.idx.msk [tilespmem:v5+s2+$0x0], $0xffff  }
0x29c: {  	s21 =	simm.s32 $0x4150;
	s28 =	simm.s32 $0xB;
	v13 =	vadd.s32 s25, v0;
	v5 =	vld.idx.msk [tilespmem:v6+s2+$0x0], $0xffff  }
0x29d: {  	s29 =	simm.s32 $0xC;
	v10 =	vadd.s32 s28, v0;
	v4 =	vld.idx.msk [tilespmem:v7+s2+$0x0], $0xffff;
	[tilespmem:s21+$0x0] =	vst v1  }
0x29e: {  	s30 =	simm.s32 $0xD;
	[tilespmem:s21+$0xFFFFFD00] =	vst v2;
	v1 =	vld.idx.msk [tilespmem:v11+s2+$0x0], $0xffff;
	v11 =	vadd.s32 s29, v0  }
0x29f: {  	s31 =	simm.s32 $0xE;
	v3 =	vld.idx.msk [tilespmem:v8+s2+$0x0], $0xffff;
	v8 =	vadd.s32 s30, v0;
	[tilespmem:s21+$0xFFFFFD80] =	vst v9  }
0x2a0: {  	s25 =	simm.s32 $0x8;
	v6 =	vld.idx.msk [tilespmem:v15+s2+$0x0], $0xffff;
	[tilespmem:s21+$0xFFFFFE00] =	vst v12;
	v9 =	vadd.s32 s31, v0  }
0x2a1: {  	s22 =	simm.s32 $0x10;
	s24 =	simm.s32 $0x17;
	s23 =	simm.s32 $0x18;
	v7 =	vadd.s32 s25, v0;
	v2 =	vld.idx.msk [tilespmem:v13+s2+$0x0], $0xffff;
	[tilespmem:s21+$0xFFFFFE80] =	vst v14  }
.LBB2_34:
0x2a2: {  	p0 =	slt.u32 s23, $0x38;
	s25 =	sadd.s32 $0x1, s22;
	v12 =	vadd.s32 s24, v0;
	v13 =	vld.idx.msk [tilespmem:v10+s2+$0x0], $0xffff;
	[tilespmem:s21+$0xFFFFFF00] =	vst v5  }
0x2a3: {  	s24 =	sadd.s32 $0x2, s22;
	v14 =	vadd.s32 s25, v0;
	v15 =	vld.idx.msk [tilespmem:v11+s2+$0x0], $0xffff;
	[tilespmem:s21+$0xFFFFFF80] =	vst v4  }
0x2a4: {  	v16 =	vadd.s32 s24, v0;
	s24 =	sadd.s32 $0x3, s22;
	v5 =	vld.idx.msk [tilespmem:v8+s2+$0x0], $0xffff;
	[tilespmem:s21+$0xFFFFFC80] =	vst v3;
	s21 =	sadd.s32 $0x400, s21  }
.Ltmp18:
0x2a5: {  	v10 =	vadd.s32 s24, v0;
	s24 =	sadd.s32 $0x4, s22;
	v4 =	vld.idx.msk [tilespmem:v9+s2+$0x0], $0xffff;
	[tilespmem:s21+$0x0] =	vst v1;
	(pc) =	sbr.rel @p0 .LBB2_34-.Ltmp18, $4  }
0x2a6: {  	v11 =	vadd.s32 s24, v0;
	s24 =	sadd.s32 $0x5, s22;
	v3 =	vld.idx.msk [tilespmem:v7+s2+$0x0], $0xffff;
	[tilespmem:s21+$0xFFFFFD00] =	vst v2  }
0x2a7: {  	v8 =	vadd.s32 s24, v0;
	s24 =	sadd.s32 $0x6, s22;
	v1 =	vld.idx.msk [tilespmem:v12+s2+$0x0], $0xffff;
	[tilespmem:s21+$0xFFFFFD80] =	vst v6  }
0x2a8: {  	v9 =	vadd.s32 s24, v0;
	v2 =	vld.idx.msk [tilespmem:v14+s2+$0x0], $0xffff;
	[tilespmem:s21+$0xFFFFFE00] =	vst v13  }
0x2a9: {  	v7 =	vadd.s32 s22, v0;
	s22 =	smov.u32 s23;
	s24 =	sadd.s32 $0x7, s23;
	s23 =	sadd.s32 $0x8, s23;
	v6 =	vld.idx.msk [tilespmem:v16+s2+$0x0], $0xffff;
	[tilespmem:s21+$0xFFFFFE80] =	vst v15  }
0x2aa: {  	_ =	sdelay $0x2  }
0x2ab: {  	[tilespmem:s21+$0xFFFFFF00] =	vst v5  }
0x2ac: {  	s23 =	sadd.s32 $0x1, s22;
	v5 =	vadd.s32 s24, v0;
	v10 =	vld.idx.msk [tilespmem:v10+s2+$0x0], $0xffff;
	[tilespmem:s21+$0xFFFFFF80] =	vst v4  }
0x2ad: {  	s26 =	sadd.s32 $0x2, s22;
	v11 =	vld.idx.msk [tilespmem:v11+s2+$0x0], $0xffff;
	s28 =	sadd.s32 $0x400, s21;
	v4 =	vadd.s32 s23, v0;
	[tilespmem:s21+$0xFFFFFC80] =	vst v3  }
0x2ae: {  	s29 =	sadd.s32 $0x3, s22;
	v8 =	vld.idx.msk [tilespmem:v8+s2+$0x0], $0xffff;
	v3 =	vadd.s32 s26, v0;
	[tilespmem:s28+$0x0] =	vst v1  }
0x2af: {  	s30 =	sadd.s32 $0x4, s22;
	v9 =	vld.idx.msk [tilespmem:v9+s2+$0x0], $0xffff;
	v1 =	vadd.s32 s29, v0;
	[tilespmem:s28+$0xFFFFFD00] =	vst v2  }
0x2b0: {  	s31 =	sadd.s32 $0x5, s22;
	v7 =	vld.idx.msk [tilespmem:v7+s2+$0x0], $0xffff;
	v2 =	vadd.s32 s30, v0;
	[tilespmem:s28+$0xFFFFFD80] =	vst v6  }
0x2b1: {  	s24 =	sadd.s32 $0x6, s22;
	v6 =	vadd.s32 s31, v0;
	v5 =	vld.idx.msk [tilespmem:v5+s2+$0x0], $0xffff;
	[tilespmem:s28+$0xFFFFFE00] =	vst v10  }
0x2b2: {  	v10 =	vadd.s32 s24, v0;
	[tilespmem:s28+$0xFFFFFE80] =	vst v11;
	v4 =	vld.idx.msk [tilespmem:v4+s2+$0x0], $0xffff  }
0x2b3: {  	v0 =	vadd.s32 s22, v0;
	[tilespmem:s28+$0xFFFFFF00] =	vst v8;
	v3 =	vld.idx.msk [tilespmem:v3+s2+$0x0], $0xffff  }
0x2b4: {  	[tilespmem:s28+$0xFFFFFF80] =	vst v9;
	v1 =	vld.idx.msk [tilespmem:v1+s2+$0x0], $0xffff  }
0x2b5: {  	s21 =	sadd.s32 $0x400, s28;
	[tilespmem:s28+$0xFFFFFC80] =	vst v7;
	v2 =	vld.idx.msk [tilespmem:v2+s2+$0x0], $0xffff  }
0x2b6: {  	v6 =	vld.idx.msk [tilespmem:v6+s2+$0x0], $0xffff;
	[tilespmem:s21+$0x0] =	vst v5  }
0x2b7: {  	v5 =	vld.idx.msk [tilespmem:v10+s2+$0x0], $0xffff;
	[tilespmem:s21+$0xFFFFFD00] =	vst v4  }
0x2b8: {  	v0 =	vld.idx.msk [tilespmem:v0+s2+$0x0], $0xffff;
	[tilespmem:s21+$0xFFFFFD80] =	vst v3  }
0x2b9: {  	[tilespmem:s21+$0xFFFFFE00] =	vst v1  }
0x2ba: {  	[tilespmem:s21+$0xFFFFFE80] =	vst v2  }
0x2bb: {  	[tilespmem:s21+$0xFFFFFF00] =	vst v6  }
0x2bc: {  	[tilespmem:s21+$0xFFFFFF80] =	vst v5  }
0x2bd: {  	[tilespmem:s21+$0xFFFFFC80] =	vst v0  }
0x2be: {  	v0 =	vld [tilespmem:s19+$0x1A60];
	_ =	sdelay $0x4  }
0x2bf: {  	v0 =	vmul.u32 $0x41, v0  }
0x2c0: {  	s25 =	simm.s32 $0x7  }
0x2c1: {  	s26 =	simm.s32 $0x1;
	v1 =	vadd.s32 s25, v0  }
0x2c2: {  	s28 =	simm.s32 $0x2;
	v2 =	vadd.s32 s26, v0  }
0x2c3: {  	s29 =	simm.s32 $0x3;
	v3 =	vadd.s32 s28, v0  }
0x2c4: {  	s30 =	simm.s32 $0x4;
	v4 =	vadd.s32 s29, v0  }
0x2c5: {  	s31 =	simm.s32 $0x5;
	v5 =	vadd.s32 s30, v0  }
0x2c6: {  	s22 =	simm.s32 $0x6;
	v6 =	vadd.s32 s31, v0;
	v1 =	vld.idx.msk [tilespmem:v1+s2+$0x0], $0xffff  }
0x2c7: {  	s24 =	simm.s32 $0xF;
	v7 =	vadd.s32 s22, v0;
	v2 =	vld.idx.msk [tilespmem:v2+s2+$0x0], $0xffff  }
0x2c8: {  	s23 =	simm.s32 $0x0;
	v11 =	vadd.s32 s24, v0;
	v9 =	vld.idx.msk [tilespmem:v3+s2+$0x0], $0xffff  }
0x2c9: {  	v8 =	vadd.s32 s23, v0;
	s26 =	simm.s32 $0xA;
	v12 =	vld.idx.msk [tilespmem:v4+s2+$0x0], $0xffff  }
0x2ca: {  	s25 =	simm.s32 $0x9;
	v15 =	vadd.s32 s26, v0;
	v14 =	vld.idx.msk [tilespmem:v5+s2+$0x0], $0xffff  }
0x2cb: {  	s21 =	simm.s32 $0x4160;
	s28 =	simm.s32 $0xB;
	v13 =	vadd.s32 s25, v0;
	v5 =	vld.idx.msk [tilespmem:v6+s2+$0x0], $0xffff  }
0x2cc: {  	s29 =	simm.s32 $0xC;
	v10 =	vadd.s32 s28, v0;
	v4 =	vld.idx.msk [tilespmem:v7+s2+$0x0], $0xffff;
	[tilespmem:s21+$0x0] =	vst v1  }
0x2cd: {  	s30 =	simm.s32 $0xD;
	[tilespmem:s21+$0xFFFFFD00] =	vst v2;
	v1 =	vld.idx.msk [tilespmem:v11+s2+$0x0], $0xffff;
	v11 =	vadd.s32 s29, v0  }
0x2ce: {  	s31 =	simm.s32 $0xE;
	v3 =	vld.idx.msk [tilespmem:v8+s2+$0x0], $0xffff;
	v8 =	vadd.s32 s30, v0;
	[tilespmem:s21+$0xFFFFFD80] =	vst v9  }
0x2cf: {  	s25 =	simm.s32 $0x8;
	v6 =	vld.idx.msk [tilespmem:v15+s2+$0x0], $0xffff;
	[tilespmem:s21+$0xFFFFFE00] =	vst v12;
	v9 =	vadd.s32 s31, v0  }
0x2d0: {  	s22 =	simm.s32 $0x10;
	s24 =	simm.s32 $0x17;
	s23 =	simm.s32 $0x18;
	v7 =	vadd.s32 s25, v0;
	v2 =	vld.idx.msk [tilespmem:v13+s2+$0x0], $0xffff;
	[tilespmem:s21+$0xFFFFFE80] =	vst v14  }
.LBB2_36:
0x2d1: {  	p0 =	slt.u32 s23, $0x38;
	s25 =	sadd.s32 $0x1, s22;
	v12 =	vadd.s32 s24, v0;
	v13 =	vld.idx.msk [tilespmem:v10+s2+$0x0], $0xffff;
	[tilespmem:s21+$0xFFFFFF00] =	vst v5  }
0x2d2: {  	s24 =	sadd.s32 $0x2, s22;
	v14 =	vadd.s32 s25, v0;
	v15 =	vld.idx.msk [tilespmem:v11+s2+$0x0], $0xffff;
	[tilespmem:s21+$0xFFFFFF80] =	vst v4  }
0x2d3: {  	v16 =	vadd.s32 s24, v0;
	s24 =	sadd.s32 $0x3, s22;
	v5 =	vld.idx.msk [tilespmem:v8+s2+$0x0], $0xffff;
	[tilespmem:s21+$0xFFFFFC80] =	vst v3;
	s21 =	sadd.s32 $0x400, s21  }
.Ltmp19:
0x2d4: {  	v10 =	vadd.s32 s24, v0;
	s24 =	sadd.s32 $0x4, s22;
	v4 =	vld.idx.msk [tilespmem:v9+s2+$0x0], $0xffff;
	[tilespmem:s21+$0x0] =	vst v1;
	(pc) =	sbr.rel @p0 .LBB2_36-.Ltmp19, $4  }
0x2d5: {  	v11 =	vadd.s32 s24, v0;
	s24 =	sadd.s32 $0x5, s22;
	v3 =	vld.idx.msk [tilespmem:v7+s2+$0x0], $0xffff;
	[tilespmem:s21+$0xFFFFFD00] =	vst v2  }
0x2d6: {  	v8 =	vadd.s32 s24, v0;
	s24 =	sadd.s32 $0x6, s22;
	v1 =	vld.idx.msk [tilespmem:v12+s2+$0x0], $0xffff;
	[tilespmem:s21+$0xFFFFFD80] =	vst v6  }
0x2d7: {  	v9 =	vadd.s32 s24, v0;
	v2 =	vld.idx.msk [tilespmem:v14+s2+$0x0], $0xffff;
	[tilespmem:s21+$0xFFFFFE00] =	vst v13  }
0x2d8: {  	v7 =	vadd.s32 s22, v0;
	s22 =	smov.u32 s23;
	s24 =	sadd.s32 $0x7, s23;
	s23 =	sadd.s32 $0x8, s23;
	v6 =	vld.idx.msk [tilespmem:v16+s2+$0x0], $0xffff;
	[tilespmem:s21+$0xFFFFFE80] =	vst v15  }
0x2d9: {  	_ =	sdelay $0x2  }
0x2da: {  	[tilespmem:s21+$0xFFFFFF00] =	vst v5  }
0x2db: {  	s23 =	sadd.s32 $0x1, s22;
	v5 =	vadd.s32 s24, v0;
	v10 =	vld.idx.msk [tilespmem:v10+s2+$0x0], $0xffff;
	[tilespmem:s21+$0xFFFFFF80] =	vst v4  }
0x2dc: {  	s26 =	sadd.s32 $0x2, s22;
	v11 =	vld.idx.msk [tilespmem:v11+s2+$0x0], $0xffff;
	s28 =	sadd.s32 $0x400, s21;
	v4 =	vadd.s32 s23, v0;
	[tilespmem:s21+$0xFFFFFC80] =	vst v3  }
0x2dd: {  	s29 =	sadd.s32 $0x3, s22;
	v8 =	vld.idx.msk [tilespmem:v8+s2+$0x0], $0xffff;
	v3 =	vadd.s32 s26, v0;
	[tilespmem:s28+$0x0] =	vst v1  }
0x2de: {  	s30 =	sadd.s32 $0x4, s22;
	v9 =	vld.idx.msk [tilespmem:v9+s2+$0x0], $0xffff;
	v1 =	vadd.s32 s29, v0;
	[tilespmem:s28+$0xFFFFFD00] =	vst v2  }
0x2df: {  	s31 =	sadd.s32 $0x5, s22;
	v7 =	vld.idx.msk [tilespmem:v7+s2+$0x0], $0xffff;
	v2 =	vadd.s32 s30, v0;
	[tilespmem:s28+$0xFFFFFD80] =	vst v6  }
0x2e0: {  	s24 =	sadd.s32 $0x6, s22;
	v6 =	vadd.s32 s31, v0;
	v5 =	vld.idx.msk [tilespmem:v5+s2+$0x0], $0xffff;
	[tilespmem:s28+$0xFFFFFE00] =	vst v10  }
0x2e1: {  	v10 =	vadd.s32 s24, v0;
	[tilespmem:s28+$0xFFFFFE80] =	vst v11;
	v4 =	vld.idx.msk [tilespmem:v4+s2+$0x0], $0xffff  }
0x2e2: {  	v0 =	vadd.s32 s22, v0;
	[tilespmem:s28+$0xFFFFFF00] =	vst v8;
	v3 =	vld.idx.msk [tilespmem:v3+s2+$0x0], $0xffff  }
0x2e3: {  	[tilespmem:s28+$0xFFFFFF80] =	vst v9;
	v1 =	vld.idx.msk [tilespmem:v1+s2+$0x0], $0xffff  }
0x2e4: {  	s21 =	sadd.s32 $0x400, s28;
	[tilespmem:s28+$0xFFFFFC80] =	vst v7;
	v2 =	vld.idx.msk [tilespmem:v2+s2+$0x0], $0xffff  }
0x2e5: {  	v6 =	vld.idx.msk [tilespmem:v6+s2+$0x0], $0xffff;
	[tilespmem:s21+$0x0] =	vst v5  }
0x2e6: {  	v5 =	vld.idx.msk [tilespmem:v10+s2+$0x0], $0xffff;
	[tilespmem:s21+$0xFFFFFD00] =	vst v4  }
0x2e7: {  	v0 =	vld.idx.msk [tilespmem:v0+s2+$0x0], $0xffff;
	[tilespmem:s21+$0xFFFFFD80] =	vst v3  }
0x2e8: {  	[tilespmem:s21+$0xFFFFFE00] =	vst v1  }
0x2e9: {  	[tilespmem:s21+$0xFFFFFE80] =	vst v2  }
0x2ea: {  	[tilespmem:s21+$0xFFFFFF00] =	vst v6  }
0x2eb: {  	[tilespmem:s21+$0xFFFFFF80] =	vst v5  }
0x2ec: {  	[tilespmem:s21+$0xFFFFFC80] =	vst v0  }
0x2ed: {  	v0 =	vld [tilespmem:s19+$0x1A70];
	_ =	sdelay $0x4  }
0x2ee: {  	v0 =	vmul.u32 $0x41, v0  }
0x2ef: {  	s25 =	simm.s32 $0x7  }
0x2f0: {  	s26 =	simm.s32 $0x1;
	v1 =	vadd.s32 s25, v0  }
0x2f1: {  	s28 =	simm.s32 $0x2;
	v2 =	vadd.s32 s26, v0  }
0x2f2: {  	s29 =	simm.s32 $0x3;
	v3 =	vadd.s32 s28, v0  }
0x2f3: {  	s30 =	simm.s32 $0x4;
	v4 =	vadd.s32 s29, v0  }
0x2f4: {  	s31 =	simm.s32 $0x5;
	v5 =	vadd.s32 s30, v0  }
0x2f5: {  	s21 =	simm.s32 $0x6;
	v6 =	vadd.s32 s31, v0;
	v1 =	vld.idx.msk [tilespmem:v1+s2+$0x0], $0xffff  }
0x2f6: {  	s23 =	simm.s32 $0xF;
	v7 =	vadd.s32 s21, v0;
	v2 =	vld.idx.msk [tilespmem:v2+s2+$0x0], $0xffff  }
0x2f7: {  	s22 =	simm.s32 $0x0;
	v11 =	vadd.s32 s23, v0;
	v9 =	vld.idx.msk [tilespmem:v3+s2+$0x0], $0xffff  }
0x2f8: {  	v8 =	vadd.s32 s22, v0;
	s25 =	simm.s32 $0xA;
	v12 =	vld.idx.msk [tilespmem:v4+s2+$0x0], $0xffff  }
0x2f9: {  	s24 =	simm.s32 $0x9;
	v15 =	vadd.s32 s25, v0;
	v14 =	vld.idx.msk [tilespmem:v5+s2+$0x0], $0xffff  }
0x2fa: {  	s19 =	simm.s32 $0x4170;
	v13 =	vadd.s32 s24, v0;
	s26 =	simm.s32 $0xB;
	v5 =	vld.idx.msk [tilespmem:v6+s2+$0x0], $0xffff  }
0x2fb: {  	s28 =	simm.s32 $0xC;
	v10 =	vadd.s32 s26, v0;
	v4 =	vld.idx.msk [tilespmem:v7+s2+$0x0], $0xffff;
	[tilespmem:s19+$0x0] =	vst v1  }
0x2fc: {  	s29 =	simm.s32 $0xD;
	[tilespmem:s19+$0xFFFFFD00] =	vst v2;
	v1 =	vld.idx.msk [tilespmem:v11+s2+$0x0], $0xffff;
	v11 =	vadd.s32 s28, v0  }
0x2fd: {  	s31 =	simm.s32 $0xE;
	v3 =	vld.idx.msk [tilespmem:v8+s2+$0x0], $0xffff;
	v8 =	vadd.s32 s29, v0;
	[tilespmem:s19+$0xFFFFFD80] =	vst v9  }
0x2fe: {  	s30 =	simm.s32 $0x8;
	v6 =	vld.idx.msk [tilespmem:v15+s2+$0x0], $0xffff;
	[tilespmem:s19+$0xFFFFFE00] =	vst v12;
	v9 =	vadd.s32 s31, v0  }
0x2ff: {  	s21 =	simm.s32 $0x10;
	s23 =	simm.s32 $0x17;
	s22 =	simm.s32 $0x18;
	v7 =	vadd.s32 s30, v0;
	v2 =	vld.idx.msk [tilespmem:v13+s2+$0x0], $0xffff;
	[tilespmem:s19+$0xFFFFFE80] =	vst v14  }
.LBB2_38:
0x300: {  	p0 =	slt.u32 s22, $0x38;
	s24 =	sadd.s32 $0x1, s21;
	v12 =	vadd.s32 s23, v0;
	v13 =	vld.idx.msk [tilespmem:v10+s2+$0x0], $0xffff;
	[tilespmem:s19+$0xFFFFFF00] =	vst v5  }
0x301: {  	s23 =	sadd.s32 $0x2, s21;
	v14 =	vadd.s32 s24, v0;
	v15 =	vld.idx.msk [tilespmem:v11+s2+$0x0], $0xffff;
	[tilespmem:s19+$0xFFFFFF80] =	vst v4  }
0x302: {  	v16 =	vadd.s32 s23, v0;
	s23 =	sadd.s32 $0x3, s21;
	v5 =	vld.idx.msk [tilespmem:v8+s2+$0x0], $0xffff;
	[tilespmem:s19+$0xFFFFFC80] =	vst v3;
	s19 =	sadd.s32 $0x400, s19  }
.Ltmp20:
0x303: {  	v10 =	vadd.s32 s23, v0;
	s23 =	sadd.s32 $0x4, s21;
	v4 =	vld.idx.msk [tilespmem:v9+s2+$0x0], $0xffff;
	[tilespmem:s19+$0x0] =	vst v1;
	(pc) =	sbr.rel @p0 .LBB2_38-.Ltmp20, $4  }
0x304: {  	v11 =	vadd.s32 s23, v0;
	s23 =	sadd.s32 $0x5, s21;
	v3 =	vld.idx.msk [tilespmem:v7+s2+$0x0], $0xffff;
	[tilespmem:s19+$0xFFFFFD00] =	vst v2  }
0x305: {  	v8 =	vadd.s32 s23, v0;
	s23 =	sadd.s32 $0x6, s21;
	v1 =	vld.idx.msk [tilespmem:v12+s2+$0x0], $0xffff;
	[tilespmem:s19+$0xFFFFFD80] =	vst v6  }
0x306: {  	v9 =	vadd.s32 s23, v0;
	v2 =	vld.idx.msk [tilespmem:v14+s2+$0x0], $0xffff;
	[tilespmem:s19+$0xFFFFFE00] =	vst v13  }
0x307: {  	v7 =	vadd.s32 s21, v0;
	s21 =	smov.u32 s22;
	s23 =	sadd.s32 $0x7, s22;
	s22 =	sadd.s32 $0x8, s22;
	v6 =	vld.idx.msk [tilespmem:v16+s2+$0x0], $0xffff;
	[tilespmem:s19+$0xFFFFFE80] =	vst v15  }
0x308: {  	_ =	sdelay $0x2  }
0x309: {  	[tilespmem:s19+$0xFFFFFF00] =	vst v5  }
0x30a: {  	v55 =	vadd.s32 s23, v0;
	v10 =	vld.idx.msk [tilespmem:v10+s2+$0x0], $0xffff;
	[tilespmem:s19+$0xFFFFFF80] =	vst v4  }
0x30b: {  	s22 =	sadd.s32 $0x1, s21;
	v11 =	vld.idx.msk [tilespmem:v11+s2+$0x0], $0xffff;
	s25 =	sadd.s32 $0x400, s19;
	v62 =	vadd.s32 s21, v0;
	[tilespmem:s19+$0xFFFFFC80] =	vst v3  }
0x30c: {  	s24 =	sadd.s32 $0x2, s21;
	v8 =	vld.idx.msk [tilespmem:v8+s2+$0x0], $0xffff;
	v56 =	vadd.s32 s22, v0;
	[tilespmem:s25+$0x0] =	vst v1  }
0x30d: {  	s26 =	sadd.s32 $0x3, s21;
	v9 =	vld.idx.msk [tilespmem:v9+s2+$0x0], $0xffff;
	v57 =	vadd.s32 s24, v0;
	[tilespmem:s25+$0xFFFFFD00] =	vst v2  }
0x30e: {  	s28 =	sadd.s32 $0x4, s21;
	v7 =	vld.idx.msk [tilespmem:v7+s2+$0x0], $0xffff;
	v58 =	vadd.s32 s26, v0;
	[tilespmem:s25+$0xFFFFFD80] =	vst v6  }
0x30f: {  	s29 =	sadd.s32 $0x5, s21;
	s30 =	sadd.s32 $0x6, s21;
	v59 =	vadd.s32 s28, v0;
	v5 =	vld.idx.msk [tilespmem:v55+s2+$0x0], $0xffff;
	[tilespmem:s25+$0xFFFFFE00] =	vst v10  }
0x310: {  	v60 =	vadd.s32 s29, v0;
	v61 =	vadd.s32 s30, v0;
	[tilespmem:s25+$0xFFFFFE80] =	vst v11;
	v0 =	vld.idx.msk [tilespmem:v62+s2+$0x0], $0xffff  }
0x311: {  	[tilespmem:s25+$0xFFFFFF00] =	vst v8;
	v4 =	vld.idx.msk [tilespmem:v56+s2+$0x0], $0xffff  }
0x312: {  	[tilespmem:s25+$0xFFFFFF80] =	vst v9;
	v3 =	vld.idx.msk [tilespmem:v57+s2+$0x0], $0xffff  }
0x313: {  	s19 =	sadd.s32 $0x400, s25;
	[tilespmem:s25+$0xFFFFFC80] =	vst v7;
	v1 =	vld.idx.msk [tilespmem:v58+s2+$0x0], $0xffff  }
0x314: {  	v2 =	vld.idx.msk [tilespmem:v59+s2+$0x0], $0xffff;
	[tilespmem:s19+$0x0] =	vst v5  }
0x315: {  	v6 =	vld.idx.msk [tilespmem:v60+s2+$0x0], $0xffff;
	[tilespmem:s19+$0xFFFFFC80] =	vst v0  }
0x316: {  	s18 =	sadd.s32 $0x1, s18;
	v63 =	vld.idx.msk [tilespmem:v61+s2+$0x0], $0xffff;
	[tilespmem:s19+$0xFFFFFD00] =	vst v4  }
0x317: {  	p0 =	sne.s32 s18, $0x64;
	[tilespmem:s19+$0xFFFFFD80] =	vst v3  }
.Ltmp21:
0x318: {  	[tilespmem:s19+$0xFFFFFE00] =	vst v1;
	(pc) =	sbr.rel @p0 .LBB2_2-.Ltmp21, $4  }
.Ltmp22:
0x319: {  	[tilespmem:s19+$0xFFFFFE80] =	vst v2;
	(pc) =	sbr.rel @!p0 .LBB2_40-.Ltmp22, $4  }
0x31a: {  	s20 =	sadd.s32 s20, s7;
	[tilespmem:s19+$0xFFFFFF00] =	vst v6  }
0x31b: {  	s31 =	sadd.s32 s5, s20;
	[tilespmem:s19+$0xFFFFFF80] =	vst v63  }
0x31c: {  	[hbm4b:s31+s11] =	stream.strided.scatter [tilespmem:s14], [sflag:$0x2], $0x2000, s12, s11, $0x38;
	[tilespmem:$0x5D80] =	vst v63  }
0x31d: {  	_ = 	snop  }
.LBB2_6:
.Ltmp23:
0x31e: {  	(pc) =	sbr.rel .LBB2_7-.Ltmp23, $2  }
0x31f: {  	_ =	sdelay $0x2  }
0x320: {  	p0 =	por $0x1, $0x1  }
.LBB2_41:
0x321: {  	_ =	sfence.sel $0x180000  }
0x322: {  	[bflag:$0x0] =	sbarrier.arrive $0xFFFF  }
0x323: {  	p0 =	sne.s32 s3, $0x0;
	_ =	strace $0x90000047  }
0x324: {  	s0 =	sadd.s32 @!p0 $0x100000, s0;
	[bflag:$0x2] =	sbarrier.arrive $0xFFFF  }
0x325: {  	[sflag:s0] =	ssyncadd.tile.s32 @!p0 $0x1;
	_ =	shalt  }
.Lfunc_end2:
_tile_overlayer_lowered:
.L_overlay_start_2:
0x326: {  	(tag) =	ssettag $0x2  }
0x327: {  	s0 =	rddreg [dreg:$0x0];
	s2 =	stileid.u32  }
0x328: {  	s1 =	rddreg [dreg:$0x1];
	p0 =	sne.s32 s2, $0x0  }
0x329: {  	s3 =	rddreg [dreg:$0x2];
	[bflag:$0x3] =	sbarrier.arrive $0xFFFF;
	s2 =	simm.s32 @!p0 $0x1C03  }
0x32a: {  	[timem:s3], [sflag:s2] =	dma.local @!p0 [hbm:s0], s1  }
0x32b: {  	s0 =	simm.s32 @!p0 $0x3  }
0x32c: {  	_ =	swait.ge @!p0 [sflag:s0], s1  }
0x32d: {  	s1 =	ssub.s32 @!p0 $0x0, s1;
	[sflag:s0] =	ssyncset.done @!p0 $0x0  }
0x32e: {  	[sflag:s0] =	ssyncadd.s32 @!p0 s1  }
0x32f: {  	[bflag:$0x3] =	sbarrier.arrive $0xFFFF  }
0x330: {  	_ =	shalt  }

</sc_bundles>
